<compile_context>
chip_gen: v7x
topology: tpu7x:2x2x1
jax: 0.10.2.dev20260603
libtpu: 0.0.44.dev20260713+nightly
codegen_flags: <defaults>
</compile_context>

<pallas_src>
import functools

import jax
import jax.numpy as jnp
from jax import lax
from jax.experimental import pallas as pl
from jax.experimental.pallas import tpu as pltpu
from jax.experimental.pallas import tpu_sc as plsc

VOCAB = 1000
BATCH, TLEN = 1024, 50
NC, NS = 2, 16
NW = NC * NS
N_TOK = BATCH * TLEN
B_PER_W = BATCH // NW
PER_W = B_PER_W * TLEN
N_PAIR = B_PER_W // 2
LANES = 16
PAD_W = PER_W + 64


def _lse_body(tbl_ref, lse_ref):
    l = tbl_ref[...]
    m = jnp.max(l, axis=1, keepdims=True)
    lse_ref[...] = m + jnp.log(jnp.sum(jnp.exp(l - m), axis=1, keepdims=True))


def _tc_lse(table):
    return pl.pallas_call(
        _lse_body,
        out_shape=jax.ShapeDtypeStruct((VOCAB, 1), jnp.float32),
    )(table)


def _gather_body(idx_hbm, idx3_hbm, tgt_hbm, lse_hbm, table_hbm,
                 out_hbm, part_hbm,
                 idx_v, idx2_v, tgt_v, lse_v, part_v, buf0, buf1, sem0, sem1):
    wid = lax.axis_index("s") * NC + lax.axis_index("c")
    base = wid * PER_W
    bbase = wid * B_PER_W
    pltpu.sync_copy(idx_hbm.at[pl.ds(base, PER_W)], idx_v.at[pl.ds(0, PER_W)])
    pltpu.sync_copy(tgt_hbm.at[pl.ds(base, PER_W)], tgt_v.at[pl.ds(0, PER_W)])
    pltpu.sync_copy(idx3_hbm.at[wid], idx2_v)
    pltpu.sync_copy(lse_hbm, lse_v)

    def start(c, buf, sem):
        pltpu.async_copy(table_hbm.at[idx2_v.at[c]], buf, sem)

    def wait(buf, sem):
        pltpu.make_async_copy(table_hbm.at[idx2_v.at[0]], buf, sem).wait()

    lane = lax.iota(jnp.int32, LANES)
    full = lane < LANES

    def chunk_loss(c, buf, acc):
        for q in range(4):
            valid = full if q < 3 else (lane < TLEN - 48)
            gidx = lane + (c * TLEN + q * LANES)
            rows = lane + q * LANES
            ix16 = plsc.load_gather(idx_v, [gidx], mask=valid)
            tg16 = plsc.load_gather(tgt_v, [gidx], mask=valid)
            tv = plsc.load_gather(buf, [rows, tg16], mask=valid)
            lsev = plsc.load_gather(lse_v, [ix16], mask=valid)
            acc = acc + jnp.where(valid, lsev - tv, 0.0)
        return acc

    start(0, buf0, sem0)

    def pair(g, acc):
        c = 2 * g
        start(c + 1, buf1, sem1)
        wait(buf0, sem0)
        acc = chunk_loss(c, buf0, acc)
        pltpu.sync_copy(buf0, out_hbm.at[bbase + c])

        @pl.when(g < N_PAIR - 1)
        def _():
            start(c + 2, buf0, sem0)

        wait(buf1, sem1)
        acc = chunk_loss(c + 1, buf1, acc)
        pltpu.sync_copy(buf1, out_hbm.at[bbase + c + 1])
        return acc

    acc = lax.fori_loop(0, N_PAIR, pair, jnp.zeros((LANES,), jnp.float32))
    part_v[...] = acc
    pltpu.sync_copy(part_v, part_hbm.at[pl.ds(wid * LANES, LANES)])


_sc_gather = functools.partial(
    pl.kernel,
    out_type=(
        jax.ShapeDtypeStruct((BATCH, TLEN, VOCAB), jnp.float32),
        jax.ShapeDtypeStruct((NW * LANES,), jnp.float32),
    ),
    mesh=plsc.VectorSubcoreMesh(
        core_axis_name="c", subcore_axis_name="s", num_cores=NC, num_subcores=NS
    ),
    scratch_types=[
        pltpu.VMEM((PAD_W,), jnp.int32),
        pltpu.VMEM((B_PER_W, TLEN), jnp.int32),
        pltpu.VMEM((PAD_W,), jnp.int32),
        pltpu.VMEM((VOCAB,), jnp.float32),
        pltpu.VMEM((LANES,), jnp.float32),
        pltpu.VMEM((TLEN, VOCAB), jnp.float32),
        pltpu.VMEM((TLEN, VOCAB), jnp.float32),
        pltpu.SemaphoreType.DMA,
        pltpu.SemaphoreType.DMA,
    ],
    compiler_params=pltpu.CompilerParams(
        use_tc_tiling_on_sc=False, needs_layout_passes=False
    ),
)(_gather_body)


def _final_body(part_ref, loss_ref):
    loss_ref[0, 0] = jnp.sum(part_ref[...]) / N_TOK


def _tc_final(partials):
    return pl.pallas_call(
        _final_body,
        out_specs=pl.BlockSpec(memory_space=pltpu.SMEM),
        out_shape=jax.ShapeDtypeStruct((1, 1), jnp.float32),
    )(partials)


def kernel(idx, target, table):
    idx_flat = idx.reshape(N_TOK).astype(jnp.int32)
    idx3 = idx_flat.reshape(NW, B_PER_W, TLEN)
    tgt_flat = target.reshape(N_TOK).astype(jnp.int32)
    lse = _tc_lse(table).reshape(VOCAB)
    logits, partials = _sc_gather(idx_flat, idx3, tgt_flat, lse, table)
    loss = _tc_final(partials.reshape(NW, LANES))
    return logits, loss[0, 0]

# --- scband reference (transcript-rebuilt; emitter-appended) ---
"""Pipeline reference for scband-bigram-language-model-38439957299797 (READ-ONLY COPY).

The authoritative reference and input builder live on the scoring server;
editing this copy changes nothing except your own understanding.
"""

import jax, jax.numpy as jnp
import numpy as np

VOCAB = 1000
B, T = 1024, 50

def setup_inputs(seed: int = 0) -> dict:
    key = jax.random.key(seed)
    k1, k2, k3 = jax.random.split(key, 3)
    idx = jax.random.randint(k1, (B, T), 0, VOCAB, dtype=jnp.int64) if jax.config.jax_enable_x64 else jax.random.randint(k1, (B, T), 0, VOCAB, dtype=jnp.int32)
    target = jax.random.randint(k2, (B, T), 0, VOCAB, dtype=jnp.int32)
    # learned parameter: embedding table of shape [vocab_size, vocab_size]
    table = jax.random.normal(k3, (VOCAB, VOCAB), dtype=jnp.float32)
    return {"idx": idx, "target": target, "table": table}

def reference(idx, target, table):
    # logits = self.embedding_table(idx)
    logits = jnp.take(table, idx, axis=0)  # [B, T, VOCAB]
    Bs, Ts, C = logits.shape
    logits2 = logits.reshape(Bs * Ts, C)
    tgt = target.reshape(Bs * Ts)
    # F.cross_entropy (mean reduction)
    logp = jax.nn.log_softmax(logits2, axis=-1)
    nll = -jnp.take_along_axis(logp, tgt[:, None], axis=1)[:, 0]
    loss = jnp.mean(nll)
    return (logits, loss)

if __name__ == "__main__":
    import jax
    _d = setup_inputs()
    print(jax.jit(kernel)(*tuple(_d.values())))

</pallas_src>

<mosaic_0001>
#map = affine_map<(d0, d1) -> (0)>
#map1 = affine_map<(d0, d1) -> (0, 0, 0)>
#map2 = affine_map<(d0, d1) -> (0, 0)>
module attributes {stable_mosaic.version = 14 : i64} {
  func.func @_gather_body(%arg0: i32, %arg1: i32, %arg2: memref<51200xi32, #tpu.memory_space<hbm>>, %arg3: memref<32x32x50xi32, #tpu.memory_space<hbm>>, %arg4: memref<51200xi32, #tpu.memory_space<hbm>>, %arg5: memref<1000xf32, #tpu.memory_space<hbm>>, %arg6: memref<1000x1000xf32, #tpu.memory_space<hbm>>, %arg7: memref<1024x50x1000xf32, #tpu.memory_space<hbm>>, %arg8: memref<512xf32, #tpu.memory_space<hbm>>, %arg9: memref<1664xi32, #tpu.memory_space<vmem>>, %arg10: memref<32x50xi32, #tpu.memory_space<vmem>>, %arg11: memref<1664xi32, #tpu.memory_space<vmem>>, %arg12: memref<1000xf32, #tpu.memory_space<vmem>>, %arg13: memref<16xf32, #tpu.memory_space<vmem>>, %arg14: memref<50x1000xf32, #tpu.memory_space<vmem>>, %arg15: memref<50x1000xf32, #tpu.memory_space<vmem>>, %arg16: memref<!tpu.dma_semaphore, #tpu.memory_space<semaphore_mem>>, %arg17: memref<!tpu.dma_semaphore, #tpu.memory_space<semaphore_mem>>) attributes {dimension_semantics = [#tpu.dimension_semantics<core_parallel>, #tpu.dimension_semantics<subcore_parallel>], iteration_bounds = array<i64: 2, 16>, scalar_prefetch = 0 : i64, scratch_operands = 9 : i64, tpu.core_type = #tpu.core_type<sc_vector_subcore>, window_params = [{transform_indices = #map}, {transform_indices = #map1}, {transform_indices = #map}, {transform_indices = #map}, {transform_indices = #map2}, {transform_indices = #map1}, {transform_indices = #map}]} {
    %mul3A = arith.constant 2 : i32
    %mul3A_0 = arith.muli %arg1, %mul3A : i32
    %add3A = arith.addi %mul3A_0, %arg0 : i32
    %mul3A_1 = arith.constant 1600 : i32
    %mul3A_2 = arith.muli %add3A, %mul3A_1 : i32
    %mul3A_3 = arith.constant 32 : i32
    %mul3A_4 = arith.muli %add3A, %mul3A_3 : i32
    "tpu.region"() ({
      %run_scoped3A = tpu.sem_alloc : memref<!tpu.dma_semaphore, #tpu.memory_space<semaphore_mem>>
      %dma_start3A_22 = arith.constant 0 : i32
      %dma_start3A_23 = tpu.memref_slice %arg9[%dma_start3A_22] : memref<1664xi32, #tpu.memory_space<vmem>> -> memref<1600xi32, #tpu.memory_space<vmem>>
      %dma_start3A_24 = tpu.memref_slice %arg2[%mul3A_2] : memref<51200xi32, #tpu.memory_space<hbm>> -> memref<1600xi32, #tpu.memory_space<hbm>>
      %dma_start3A_25 = arith.constant 0 : i32
      %dma_start3A_26 = tpu.memref_slice %arg9[%dma_start3A_25] : memref<1664xi32, #tpu.memory_space<vmem>> -> memref<1600xi32, #tpu.memory_space<vmem>>
      %dma_start3A_27 = tpu.memref_slice %arg2[%mul3A_2] : memref<51200xi32, #tpu.memory_space<hbm>> -> memref<1600xi32, #tpu.memory_space<hbm>>
      tpu.enqueue_dma source(%dma_start3A_27 : memref<1600xi32, #tpu.memory_space<hbm>>) target(%dma_start3A_26 : memref<1600xi32, #tpu.memory_space<vmem>>) target_semaphore(%run_scoped3A : memref<!tpu.dma_semaphore, #tpu.memory_space<semaphore_mem>>)
      %dma_wait3A = arith.constant 0 : i32
      %dma_wait3A_28 = tpu.memref_slice %arg9[%dma_wait3A] : memref<1664xi32, #tpu.memory_space<vmem>> -> memref<1600xi32, #tpu.memory_space<vmem>>
      %dma_wait3A_29 = tpu.memref_slice %arg2[%mul3A_2] : memref<51200xi32, #tpu.memory_space<hbm>> -> memref<1600xi32, #tpu.memory_space<hbm>>
      %dma_wait3A_30 = arith.constant 0 : i32
      %dma_wait3A_31 = tpu.memref_slice %arg9[%dma_wait3A_30] : memref<1664xi32, #tpu.memory_space<vmem>> -> memref<1600xi32, #tpu.memory_space<vmem>>
      %dma_wait3A_32 = tpu.memref_slice %arg2[%mul3A_2] : memref<51200xi32, #tpu.memory_space<hbm>> -> memref<1600xi32, #tpu.memory_space<hbm>>
      tpu.wait_dma2 semaphore(%run_scoped3A : memref<!tpu.dma_semaphore, #tpu.memory_space<semaphore_mem>>) src(%dma_wait3A_32 : memref<1600xi32, #tpu.memory_space<hbm>>) dst(%dma_wait3A_31 : memref<1600xi32, #tpu.memory_space<vmem>>)
      tpu.yield
    }) : () -> ()
    "tpu.region"() ({
      %run_scoped3A = tpu.sem_alloc : memref<!tpu.dma_semaphore, #tpu.memory_space<semaphore_mem>>
      %dma_start3A_22 = arith.constant 0 : i32
      %dma_start3A_23 = tpu.memref_slice %arg11[%dma_start3A_22] : memref<1664xi32, #tpu.memory_space<vmem>> -> memref<1600xi32, #tpu.memory_space<vmem>>
      %dma_start3A_24 = tpu.memref_slice %arg4[%mul3A_2] : memref<51200xi32, #tpu.memory_space<hbm>> -> memref<1600xi32, #tpu.memory_space<hbm>>
      %dma_start3A_25 = arith.constant 0 : i32
      %dma_start3A_26 = tpu.memref_slice %arg11[%dma_start3A_25] : memref<1664xi32, #tpu.memory_space<vmem>> -> memref<1600xi32, #tpu.memory_space<vmem>>
      %dma_start3A_27 = tpu.memref_slice %arg4[%mul3A_2] : memref<51200xi32, #tpu.memory_space<hbm>> -> memref<1600xi32, #tpu.memory_space<hbm>>
      tpu.enqueue_dma source(%dma_start3A_27 : memref<1600xi32, #tpu.memory_space<hbm>>) target(%dma_start3A_26 : memref<1600xi32, #tpu.memory_space<vmem>>) target_semaphore(%run_scoped3A : memref<!tpu.dma_semaphore, #tpu.memory_space<semaphore_mem>>)
      %dma_wait3A = arith.constant 0 : i32
      %dma_wait3A_28 = tpu.memref_slice %arg11[%dma_wait3A] : memref<1664xi32, #tpu.memory_space<vmem>> -> memref<1600xi32, #tpu.memory_space<vmem>>
      %dma_wait3A_29 = tpu.memref_slice %arg4[%mul3A_2] : memref<51200xi32, #tpu.memory_space<hbm>> -> memref<1600xi32, #tpu.memory_space<hbm>>
      %dma_wait3A_30 = arith.constant 0 : i32
      %dma_wait3A_31 = tpu.memref_slice %arg11[%dma_wait3A_30] : memref<1664xi32, #tpu.memory_space<vmem>> -> memref<1600xi32, #tpu.memory_space<vmem>>
      %dma_wait3A_32 = tpu.memref_slice %arg4[%mul3A_2] : memref<51200xi32, #tpu.memory_space<hbm>> -> memref<1600xi32, #tpu.memory_space<hbm>>
      tpu.wait_dma2 semaphore(%run_scoped3A : memref<!tpu.dma_semaphore, #tpu.memory_space<semaphore_mem>>) src(%dma_wait3A_32 : memref<1600xi32, #tpu.memory_space<hbm>>) dst(%dma_wait3A_31 : memref<1600xi32, #tpu.memory_space<vmem>>)
      tpu.yield
    }) : () -> ()
    "tpu.region"() ({
      %run_scoped3A = tpu.sem_alloc : memref<!tpu.dma_semaphore, #tpu.memory_space<semaphore_mem>>
      %dma_start3A_22 = arith.constant 0 : i32
      %dma_start3A_23 = arith.constant 0 : i32
      %dma_start3A_24 = tpu.memref_slice %arg3[%add3A, %dma_start3A_22, %dma_start3A_23] : memref<32x32x50xi32, #tpu.memory_space<hbm>> -> memref<1x32x50xi32, #tpu.memory_space<hbm>>
      %dma_start3A_25 = tpu.memref_squeeze %dma_start3A_24 : memref<1x32x50xi32, #tpu.memory_space<hbm>> -> memref<32x50xi32, #tpu.memory_space<hbm>>
      %dma_start3A_26 = arith.constant 0 : i32
      %dma_start3A_27 = arith.constant 0 : i32
      %dma_start3A_28 = tpu.memref_slice %arg3[%add3A, %dma_start3A_26, %dma_start3A_27] : memref<32x32x50xi32, #tpu.memory_space<hbm>> -> memref<1x32x50xi32, #tpu.memory_space<hbm>>
      %dma_start3A_29 = tpu.memref_squeeze %dma_start3A_28 : memref<1x32x50xi32, #tpu.memory_space<hbm>> -> memref<32x50xi32, #tpu.memory_space<hbm>>
      tpu.enqueue_dma source(%dma_start3A_29 : memref<32x50xi32, #tpu.memory_space<hbm>>) target(%arg10 : memref<32x50xi32, #tpu.memory_space<vmem>>) target_semaphore(%run_scoped3A : memref<!tpu.dma_semaphore, #tpu.memory_space<semaphore_mem>>)
      %dma_wait3A = arith.constant 0 : i32
      %dma_wait3A_30 = arith.constant 0 : i32
      %dma_wait3A_31 = tpu.memref_slice %arg3[%add3A, %dma_wait3A, %dma_wait3A_30] : memref<32x32x50xi32, #tpu.memory_space<hbm>> -> memref<1x32x50xi32, #tpu.memory_space<hbm>>
      %dma_wait3A_32 = tpu.memref_squeeze %dma_wait3A_31 : memref<1x32x50xi32, #tpu.memory_space<hbm>> -> memref<32x50xi32, #tpu.memory_space<hbm>>
      %dma_wait3A_33 = arith.constant 0 : i32
      %dma_wait3A_34 = arith.constant 0 : i32
      %dma_wait3A_35 = tpu.memref_slice %arg3[%add3A, %dma_wait3A_33, %dma_wait3A_34] : memref<32x32x50xi32, #tpu.memory_space<hbm>> -> memref<1x32x50xi32, #tpu.memory_space<hbm>>
      %dma_wait3A_36 = tpu.memref_squeeze %dma_wait3A_35 : memref<1x32x50xi32, #tpu.memory_space<hbm>> -> memref<32x50xi32, #tpu.memory_space<hbm>>
      tpu.wait_dma2 semaphore(%run_scoped3A : memref<!tpu.dma_semaphore, #tpu.memory_space<semaphore_mem>>) src(%dma_wait3A_36 : memref<32x50xi32, #tpu.memory_space<hbm>>) dst(%arg10 : memref<32x50xi32, #tpu.memory_space<vmem>>)
      tpu.yield
    }) : () -> ()
    "tpu.region"() ({
      %run_scoped3A = tpu.sem_alloc : memref<!tpu.dma_semaphore, #tpu.memory_space<semaphore_mem>>
      tpu.enqueue_dma source(%arg5 : memref<1000xf32, #tpu.memory_space<hbm>>) target(%arg12 : memref<1000xf32, #tpu.memory_space<vmem>>) target_semaphore(%run_scoped3A : memref<!tpu.dma_semaphore, #tpu.memory_space<semaphore_mem>>)
      tpu.wait_dma2 semaphore(%run_scoped3A : memref<!tpu.dma_semaphore, #tpu.memory_space<semaphore_mem>>) src(%arg5 : memref<1000xf32, #tpu.memory_space<hbm>>) dst(%arg12 : memref<1000xf32, #tpu.memory_space<vmem>>)
      tpu.yield
    }) : () -> ()
    %iota3A = tpu.iota {dimensions = array<i32: 0>} : vector<16xi32>
    %lt3A = arith.constant 16 : i32
    %lt3A_5 = vector.broadcast %lt3A : i32 to vector<16xi32>
    %lt3A_6 = arith.cmpi slt, %iota3A, %lt3A_5 : vector<16xi32>
    %dma_start3A = arith.constant 0 : i32
    %dma_start3A_7 = arith.constant 0 : i32
    %dma_start3A_8 = tpu.memref_slice %arg10[%dma_start3A, %dma_start3A_7] : memref<32x50xi32, #tpu.memory_space<vmem>> -> memref<1x50xi32, #tpu.memory_space<vmem>>
    %dma_start3A_9 = tpu.memref_squeeze %dma_start3A_8 : memref<1x50xi32, #tpu.memory_space<vmem>> -> memref<50xi32, #tpu.memory_space<vmem>>
    %dma_start3A_10 = arith.constant 0 : i32
    %dma_start3A_11 = arith.constant 0 : i32
    %dma_start3A_12 = tpu.memref_slice %arg6[%dma_start3A_10, %dma_start3A_11] : memref<1000x1000xf32, #tpu.memory_space<hbm>> -> memref<1000x1000xf32, #tpu.memory_space<hbm>>
    tpu.enqueue_indirect_dma source(%dma_start3A_12 : memref<1000x1000xf32, #tpu.memory_space<hbm>>) target(%arg14 : memref<50x1000xf32, #tpu.memory_space<vmem>>) offsets(%dma_start3A_9 : memref<50xi32, #tpu.memory_space<vmem>>) semaphore(%arg16 : memref<!tpu.dma_semaphore, #tpu.memory_space<semaphore_mem>>)
    %broadcast_in_dim3A = arith.constant 0.000000e+00 : f32
    %broadcast_in_dim3A_13 = vector.broadcast %broadcast_in_dim3A : f32 to vector<16xf32>
    %scan3A = arith.constant 0 : i32
    %scan3A_14 = arith.constant 16 : i32
    %scan3A_15 = arith.addi %scan3A, %scan3A_14 : i32
    %scan3A_16 = arith.constant 1 : i32
    %scan3A_17 = scf.for %scan3A_22 = %scan3A to %scan3A_15 step %scan3A_16 iter_args(%scan3A_23 = %broadcast_in_dim3A_13) -> (vector<16xf32>)  : i32 {
      %mul3A_24 = arith.constant 2 : i32
      %mul3A_25 = arith.muli %mul3A_24, %scan3A_22 : i32
      %add3A_26 = arith.constant 1 : i32
      %add3A_27 = arith.addi %mul3A_25, %add3A_26 : i32
      %dma_start3A_28 = arith.constant 0 : i32
      %dma_start3A_29 = tpu.memref_slice %arg10[%add3A_27, %dma_start3A_28] : memref<32x50xi32, #tpu.memory_space<vmem>> -> memref<1x50xi32, #tpu.memory_space<vmem>>
      %dma_start3A_30 = tpu.memref_squeeze %dma_start3A_29 : memref<1x50xi32, #tpu.memory_space<vmem>> -> memref<50xi32, #tpu.memory_space<vmem>>
      %dma_start3A_31 = arith.constant 0 : i32
      %dma_start3A_32 = arith.constant 0 : i32
      %dma_start3A_33 = tpu.memref_slice %arg6[%dma_start3A_31, %dma_start3A_32] : memref<1000x1000xf32, #tpu.memory_space<hbm>> -> memref<1000x1000xf32, #tpu.memory_space<hbm>>
      tpu.enqueue_indirect_dma source(%dma_start3A_33 : memref<1000x1000xf32, #tpu.memory_space<hbm>>) target(%arg15 : memref<50x1000xf32, #tpu.memory_space<vmem>>) offsets(%dma_start3A_30 : memref<50xi32, #tpu.memory_space<vmem>>) semaphore(%arg17 : memref<!tpu.dma_semaphore, #tpu.memory_space<semaphore_mem>>)
      %dma_wait3A = arith.constant 0 : i32
      %dma_wait3A_34 = arith.constant 0 : i32
      %dma_wait3A_35 = tpu.memref_slice %arg10[%dma_wait3A, %dma_wait3A_34] : memref<32x50xi32, #tpu.memory_space<vmem>> -> memref<1x50xi32, #tpu.memory_space<vmem>>
      %dma_wait3A_36 = tpu.memref_squeeze %dma_wait3A_35 : memref<1x50xi32, #tpu.memory_space<vmem>> -> memref<50xi32, #tpu.memory_space<vmem>>
      %dma_wait3A_37 = arith.constant 0 : i32
      %dma_wait3A_38 = arith.constant 0 : i32
      %dma_wait3A_39 = tpu.memref_slice %arg6[%dma_wait3A_37, %dma_wait3A_38] : memref<1000x1000xf32, #tpu.memory_space<hbm>> -> memref<1000x1000xf32, #tpu.memory_space<hbm>>
      tpu.wait_indirect_dma semaphore(%arg16 : memref<!tpu.dma_semaphore, #tpu.memory_space<semaphore_mem>>) src(%dma_wait3A_39 : memref<1000x1000xf32, #tpu.memory_space<hbm>>) dst(%arg14 : memref<50x1000xf32, #tpu.memory_space<vmem>>)
      %mul3A_40 = arith.constant 50 : i32
      %mul3A_41 = arith.muli %mul3A_25, %mul3A_40 : i32
      %add3A_42 = arith.constant 0 : i32
      %add3A_43 = arith.addi %mul3A_41, %add3A_42 : i32
      %add3A_44 = vector.broadcast %add3A_43 : i32 to vector<16xi32>
      %add3A_45 = arith.addi %iota3A, %add3A_44 : vector<16xi32>
      %add3A_46 = arith.constant 0 : i32
      %add3A_47 = vector.broadcast %add3A_46 : i32 to vector<16xi32>
      %add3A_48 = arith.addi %iota3A, %add3A_47 : vector<16xi32>
      %gather3A = tpu.vector_load_idx %arg9[%add3A_45] masked %lt3A_6 : memref<1664xi32, #tpu.memory_space<vmem>>[vector<16xi32>], vector<16xi32>, vector<16xi1>
      %gather3A_49 = tpu.vector_load_idx %arg11[%add3A_45] masked %lt3A_6 : memref<1664xi32, #tpu.memory_space<vmem>>[vector<16xi32>], vector<16xi32>, vector<16xi1>
      %gather3A_50 = tpu.vector_load_idx %arg14[%add3A_48, %gather3A_49] masked %lt3A_6 : memref<50x1000xf32, #tpu.memory_space<vmem>>[vector<16xi32>, vector<16xi32>], vector<16xf32>, vector<16xi1>
      %gather3A_51 = tpu.vector_load_idx %arg12[%gather3A] masked %lt3A_6 : memref<1000xf32, #tpu.memory_space<vmem>>[vector<16xi32>], vector<16xf32>, vector<16xi1>
      %sub3A = arith.subf %gather3A_51, %gather3A_50 : vector<16xf32>
      %jit3A = arith.constant 0.000000e+00 : f32
      %broadcast_in_dim3A_52 = vector.broadcast %jit3A : f32 to vector<16xf32>
      %select_n3A = arith.select %lt3A_6, %sub3A, %broadcast_in_dim3A_52 : vector<16xi1>, vector<16xf32>
      %add3A_53 = arith.addf %scan3A_23, %select_n3A : vector<16xf32>
      %mul3A_54 = arith.constant 50 : i32
      %mul3A_55 = arith.muli %mul3A_25, %mul3A_54 : i32
      %add3A_56 = arith.constant 16 : i32
      %add3A_57 = arith.addi %mul3A_55, %add3A_56 : i32
      %add3A_58 = vector.broadcast %add3A_57 : i32 to vector<16xi32>
      %add3A_59 = arith.addi %iota3A, %add3A_58 : vector<16xi32>
      %add3A_60 = arith.constant 16 : i32
      %add3A_61 = vector.broadcast %add3A_60 : i32 to vector<16xi32>
      %add3A_62 = arith.addi %iota3A, %add3A_61 : vector<16xi32>
      %gather3A_63 = tpu.vector_load_idx %arg9[%add3A_59] masked %lt3A_6 : memref<1664xi32, #tpu.memory_space<vmem>>[vector<16xi32>], vector<16xi32>, vector<16xi1>
      %gather3A_64 = tpu.vector_load_idx %arg11[%add3A_59] masked %lt3A_6 : memref<1664xi32, #tpu.memory_space<vmem>>[vector<16xi32>], vector<16xi32>, vector<16xi1>
      %gather3A_65 = tpu.vector_load_idx %arg14[%add3A_62, %gather3A_64] masked %lt3A_6 : memref<50x1000xf32, #tpu.memory_space<vmem>>[vector<16xi32>, vector<16xi32>], vector<16xf32>, vector<16xi1>
      %gather3A_66 = tpu.vector_load_idx %arg12[%gather3A_63] masked %lt3A_6 : memref<1000xf32, #tpu.memory_space<vmem>>[vector<16xi32>], vector<16xf32>, vector<16xi1>
      %sub3A_67 = arith.subf %gather3A_66, %gather3A_65 : vector<16xf32>
      %jit3A_68 = arith.constant 0.000000e+00 : f32
      %broadcast_in_dim3A_69 = vector.broadcast %jit3A_68 : f32 to vector<16xf32>
      %select_n3A_70 = arith.select %lt3A_6, %sub3A_67, %broadcast_in_dim3A_69 : vector<16xi1>, vector<16xf32>
      %add3A_71 = arith.addf %add3A_53, %select_n3A_70 : vector<16xf32>
      %mul3A_72 = arith.constant 50 : i32
      %mul3A_73 = arith.muli %mul3A_25, %mul3A_72 : i32
      %add3A_74 = arith.constant 32 : i32
      %add3A_75 = arith.addi %mul3A_73, %add3A_74 : i32
      %add3A_76 = vector.broadcast %add3A_75 : i32 to vector<16xi32>
      %add3A_77 = arith.addi %iota3A, %add3A_76 : vector<16xi32>
      %add3A_78 = arith.constant 32 : i32
      %add3A_79 = vector.broadcast %add3A_78 : i32 to vector<16xi32>
      %add3A_80 = arith.addi %iota3A, %add3A_79 : vector<16xi32>
      %gather3A_81 = tpu.vector_load_idx %arg9[%add3A_77] masked %lt3A_6 : memref<1664xi32, #tpu.memory_space<vmem>>[vector<16xi32>], vector<16xi32>, vector<16xi1>
      %gather3A_82 = tpu.vector_load_idx %arg11[%add3A_77] masked %lt3A_6 : memref<1664xi32, #tpu.memory_space<vmem>>[vector<16xi32>], vector<16xi32>, vector<16xi1>
      %gather3A_83 = tpu.vector_load_idx %arg14[%add3A_80, %gather3A_82] masked %lt3A_6 : memref<50x1000xf32, #tpu.memory_space<vmem>>[vector<16xi32>, vector<16xi32>], vector<16xf32>, vector<16xi1>
      %gather3A_84 = tpu.vector_load_idx %arg12[%gather3A_81] masked %lt3A_6 : memref<1000xf32, #tpu.memory_space<vmem>>[vector<16xi32>], vector<16xf32>, vector<16xi1>
      %sub3A_85 = arith.subf %gather3A_84, %gather3A_83 : vector<16xf32>
      %jit3A_86 = arith.constant 0.000000e+00 : f32
      %broadcast_in_dim3A_87 = vector.broadcast %jit3A_86 : f32 to vector<16xf32>
      %select_n3A_88 = arith.select %lt3A_6, %sub3A_85, %broadcast_in_dim3A_87 : vector<16xi1>, vector<16xf32>
      %add3A_89 = arith.addf %add3A_71, %select_n3A_88 : vector<16xf32>
      %lt3A_90 = arith.constant 2 : i32
      %lt3A_91 = vector.broadcast %lt3A_90 : i32 to vector<16xi32>
      %lt3A_92 = arith.cmpi slt, %iota3A, %lt3A_91 : vector<16xi32>
      %mul3A_93 = arith.constant 50 : i32
      %mul3A_94 = arith.muli %mul3A_25, %mul3A_93 : i32
      %add3A_95 = arith.constant 48 : i32
      %add3A_96 = arith.addi %mul3A_94, %add3A_95 : i32
      %add3A_97 = vector.broadcast %add3A_96 : i32 to vector<16xi32>
      %add3A_98 = arith.addi %iota3A, %add3A_97 : vector<16xi32>
      %add3A_99 = arith.constant 48 : i32
      %add3A_100 = vector.broadcast %add3A_99 : i32 to vector<16xi32>
      %add3A_101 = arith.addi %iota3A, %add3A_100 : vector<16xi32>
      %gather3A_102 = tpu.vector_load_idx %arg9[%add3A_98] masked %lt3A_92 : memref<1664xi32, #tpu.memory_space<vmem>>[vector<16xi32>], vector<16xi32>, vector<16xi1>
      %gather3A_103 = tpu.vector_load_idx %arg11[%add3A_98] masked %lt3A_92 : memref<1664xi32, #tpu.memory_space<vmem>>[vector<16xi32>], vector<16xi32>, vector<16xi1>
      %gather3A_104 = tpu.vector_load_idx %arg14[%add3A_101, %gather3A_103] masked %lt3A_92 : memref<50x1000xf32, #tpu.memory_space<vmem>>[vector<16xi32>, vector<16xi32>], vector<16xf32>, vector<16xi1>
      %gather3A_105 = tpu.vector_load_idx %arg12[%gather3A_102] masked %lt3A_92 : memref<1000xf32, #tpu.memory_space<vmem>>[vector<16xi32>], vector<16xf32>, vector<16xi1>
      %sub3A_106 = arith.subf %gather3A_105, %gather3A_104 : vector<16xf32>
      %jit3A_107 = arith.constant 0.000000e+00 : f32
      %broadcast_in_dim3A_108 = vector.broadcast %jit3A_107 : f32 to vector<16xf32>
      %select_n3A_109 = arith.select %lt3A_92, %sub3A_106, %broadcast_in_dim3A_108 : vector<16xi1>, vector<16xf32>
      %add3A_110 = arith.addf %add3A_89, %select_n3A_109 : vector<16xf32>
      %add3A_111 = arith.addi %mul3A_4, %mul3A_25 : i32
      "tpu.region"() ({
        %run_scoped3A = tpu.sem_alloc : memref<!tpu.dma_semaphore, #tpu.memory_space<semaphore_mem>>
        %dma_start3A_202 = arith.constant 0 : i32
        %dma_start3A_203 = arith.constant 0 : i32
        %dma_start3A_204 = tpu.memref_slice %arg7[%add3A_111, %dma_start3A_202, %dma_start3A_203] : memref<1024x50x1000xf32, #tpu.memory_space<hbm>> -> memref<1x50x1000xf32, #tpu.memory_space<hbm>>
        %dma_start3A_205 = tpu.memref_squeeze %dma_start3A_204 : memref<1x50x1000xf32, #tpu.memory_space<hbm>> -> memref<50x1000xf32, #tpu.memory_space<hbm>>
        %dma_start3A_206 = arith.constant 0 : i32
        %dma_start3A_207 = arith.constant 0 : i32
        %dma_start3A_208 = tpu.memref_slice %arg7[%add3A_111, %dma_start3A_206, %dma_start3A_207] : memref<1024x50x1000xf32, #tpu.memory_space<hbm>> -> memref<1x50x1000xf32, #tpu.memory_space<hbm>>
        %dma_start3A_209 = tpu.memref_squeeze %dma_start3A_208 : memref<1x50x1000xf32, #tpu.memory_space<hbm>> -> memref<50x1000xf32, #tpu.memory_space<hbm>>
        tpu.enqueue_dma source(%arg14 : memref<50x1000xf32, #tpu.memory_space<vmem>>) target(%dma_start3A_209 : memref<50x1000xf32, #tpu.memory_space<hbm>>) target_semaphore(%run_scoped3A : memref<!tpu.dma_semaphore, #tpu.memory_space<semaphore_mem>>)
        %dma_wait3A_210 = arith.constant 0 : i32
        %dma_wait3A_211 = arith.constant 0 : i32
        %dma_wait3A_212 = tpu.memref_slice %arg7[%add3A_111, %dma_wait3A_210, %dma_wait3A_211] : memref<1024x50x1000xf32, #tpu.memory_space<hbm>> -> memref<1x50x1000xf32, #tpu.memory_space<hbm>>
        %dma_wait3A_213 = tpu.memref_squeeze %dma_wait3A_212 : memref<1x50x1000xf32, #tpu.memory_space<hbm>> -> memref<50x1000xf32, #tpu.memory_space<hbm>>
        %dma_wait3A_214 = arith.constant 0 : i32
        %dma_wait3A_215 = arith.constant 0 : i32
        %dma_wait3A_216 = tpu.memref_slice %arg7[%add3A_111, %dma_wait3A_214, %dma_wait3A_215] : memref<1024x50x1000xf32, #tpu.memory_space<hbm>> -> memref<1x50x1000xf32, #tpu.memory_space<hbm>>
        %dma_wait3A_217 = tpu.memref_squeeze %dma_wait3A_216 : memref<1x50x1000xf32, #tpu.memory_space<hbm>> -> memref<50x1000xf32, #tpu.memory_space<hbm>>
        tpu.wait_dma2 semaphore(%run_scoped3A : memref<!tpu.dma_semaphore, #tpu.memory_space<semaphore_mem>>) src(%arg14 : memref<50x1000xf32, #tpu.memory_space<vmem>>) dst(%dma_wait3A_217 : memref<50x1000xf32, #tpu.memory_space<hbm>>)
        tpu.yield
      }) : () -> ()
      %lt3A_112 = arith.constant 15 : i32
      %lt3A_113 = arith.cmpi slt, %scan3A_22, %lt3A_112 : i32
      %convert_element_type3A = arith.extui %lt3A_113 : i1 to i32
      %cond3A = arith.constant 0 : i32
      %cond3A_114 = arith.cmpi ne, %convert_element_type3A, %cond3A : i32
      scf.if %cond3A_114 {
        %add3A_202 = arith.constant 2 : i32
        %add3A_203 = arith.addi %mul3A_25, %add3A_202 : i32
        %dma_start3A_204 = arith.constant 0 : i32
        %dma_start3A_205 = tpu.memref_slice %arg10[%add3A_203, %dma_start3A_204] : memref<32x50xi32, #tpu.memory_space<vmem>> -> memref<1x50xi32, #tpu.memory_space<vmem>>
        %dma_start3A_206 = tpu.memref_squeeze %dma_start3A_205 : memref<1x50xi32, #tpu.memory_space<vmem>> -> memref<50xi32, #tpu.memory_space<vmem>>
        %dma_start3A_207 = arith.constant 0 : i32
        %dma_start3A_208 = arith.constant 0 : i32
        %dma_start3A_209 = tpu.memref_slice %arg6[%dma_start3A_207, %dma_start3A_208] : memref<1000x1000xf32, #tpu.memory_space<hbm>> -> memref<1000x1000xf32, #tpu.memory_space<hbm>>
        tpu.enqueue_indirect_dma source(%dma_start3A_209 : memref<1000x1000xf32, #tpu.memory_space<hbm>>) target(%arg14 : memref<50x1000xf32, #tpu.memory_space<vmem>>) offsets(%dma_start3A_206 : memref<50xi32, #tpu.memory_space<vmem>>) semaphore(%arg16 : memref<!tpu.dma_semaphore, #tpu.memory_space<semaphore_mem>>)
      } else {
      }
      %dma_wait3A_115 = arith.constant 0 : i32
      %dma_wait3A_116 = arith.constant 0 : i32
      %dma_wait3A_117 = tpu.memref_slice %arg10[%dma_wait3A_115, %dma_wait3A_116] : memref<32x50xi32, #tpu.memory_space<vmem>> -> memref<1x50xi32, #tpu.memory_space<vmem>>
      %dma_wait3A_118 = tpu.memref_squeeze %dma_wait3A_117 : memref<1x50xi32, #tpu.memory_space<vmem>> -> memref<50xi32, #tpu.memory_space<vmem>>
      %dma_wait3A_119 = arith.constant 0 : i32
      %dma_wait3A_120 = arith.constant 0 : i32
      %dma_wait3A_121 = tpu.memref_slice %arg6[%dma_wait3A_119, %dma_wait3A_120] : memref<1000x1000xf32, #tpu.memory_space<hbm>> -> memref<1000x1000xf32, #tpu.memory_space<hbm>>
      tpu.wait_indirect_dma semaphore(%arg17 : memref<!tpu.dma_semaphore, #tpu.memory_space<semaphore_mem>>) src(%dma_wait3A_121 : memref<1000x1000xf32, #tpu.memory_space<hbm>>) dst(%arg15 : memref<50x1000xf32, #tpu.memory_space<vmem>>)
      %add3A_122 = arith.constant 1 : i32
      %add3A_123 = arith.addi %mul3A_25, %add3A_122 : i32
      %mul3A_124 = arith.constant 50 : i32
      %mul3A_125 = arith.muli %add3A_123, %mul3A_124 : i32
      %add3A_126 = arith.constant 0 : i32
      %add3A_127 = arith.addi %mul3A_125, %add3A_126 : i32
      %add3A_128 = vector.broadcast %add3A_127 : i32 to vector<16xi32>
      %add3A_129 = arith.addi %iota3A, %add3A_128 : vector<16xi32>
      %add3A_130 = arith.constant 0 : i32
      %add3A_131 = vector.broadcast %add3A_130 : i32 to vector<16xi32>
      %add3A_132 = arith.addi %iota3A, %add3A_131 : vector<16xi32>
      %gather3A_133 = tpu.vector_load_idx %arg9[%add3A_129] masked %lt3A_6 : memref<1664xi32, #tpu.memory_space<vmem>>[vector<16xi32>], vector<16xi32>, vector<16xi1>
      %gather3A_134 = tpu.vector_load_idx %arg11[%add3A_129] masked %lt3A_6 : memref<1664xi32, #tpu.memory_space<vmem>>[vector<16xi32>], vector<16xi32>, vector<16xi1>
      %gather3A_135 = tpu.vector_load_idx %arg15[%add3A_132, %gather3A_134] masked %lt3A_6 : memref<50x1000xf32, #tpu.memory_space<vmem>>[vector<16xi32>, vector<16xi32>], vector<16xf32>, vector<16xi1>
      %gather3A_136 = tpu.vector_load_idx %arg12[%gather3A_133] masked %lt3A_6 : memref<1000xf32, #tpu.memory_space<vmem>>[vector<16xi32>], vector<16xf32>, vector<16xi1>
      %sub3A_137 = arith.subf %gather3A_136, %gather3A_135 : vector<16xf32>
      %jit3A_138 = arith.constant 0.000000e+00 : f32
      %broadcast_in_dim3A_139 = vector.broadcast %jit3A_138 : f32 to vector<16xf32>
      %select_n3A_140 = arith.select %lt3A_6, %sub3A_137, %broadcast_in_dim3A_139 : vector<16xi1>, vector<16xf32>
      %add3A_141 = arith.addf %add3A_110, %select_n3A_140 : vector<16xf32>
      %mul3A_142 = arith.constant 50 : i32
      %mul3A_143 = arith.muli %add3A_123, %mul3A_142 : i32
      %add3A_144 = arith.constant 16 : i32
      %add3A_145 = arith.addi %mul3A_143, %add3A_144 : i32
      %add3A_146 = vector.broadcast %add3A_145 : i32 to vector<16xi32>
      %add3A_147 = arith.addi %iota3A, %add3A_146 : vector<16xi32>
      %add3A_148 = arith.constant 16 : i32
      %add3A_149 = vector.broadcast %add3A_148 : i32 to vector<16xi32>
      %add3A_150 = arith.addi %iota3A, %add3A_149 : vector<16xi32>
      %gather3A_151 = tpu.vector_load_idx %arg9[%add3A_147] masked %lt3A_6 : memref<1664xi32, #tpu.memory_space<vmem>>[vector<16xi32>], vector<16xi32>, vector<16xi1>
      %gather3A_152 = tpu.vector_load_idx %arg11[%add3A_147] masked %lt3A_6 : memref<1664xi32, #tpu.memory_space<vmem>>[vector<16xi32>], vector<16xi32>, vector<16xi1>
      %gather3A_153 = tpu.vector_load_idx %arg15[%add3A_150, %gather3A_152] masked %lt3A_6 : memref<50x1000xf32, #tpu.memory_space<vmem>>[vector<16xi32>, vector<16xi32>], vector<16xf32>, vector<16xi1>
      %gather3A_154 = tpu.vector_load_idx %arg12[%gather3A_151] masked %lt3A_6 : memref<1000xf32, #tpu.memory_space<vmem>>[vector<16xi32>], vector<16xf32>, vector<16xi1>
      %sub3A_155 = arith.subf %gather3A_154, %gather3A_153 : vector<16xf32>
      %jit3A_156 = arith.constant 0.000000e+00 : f32
      %broadcast_in_dim3A_157 = vector.broadcast %jit3A_156 : f32 to vector<16xf32>
      %select_n3A_158 = arith.select %lt3A_6, %sub3A_155, %broadcast_in_dim3A_157 : vector<16xi1>, vector<16xf32>
      %add3A_159 = arith.addf %add3A_141, %select_n3A_158 : vector<16xf32>
      %mul3A_160 = arith.constant 50 : i32
      %mul3A_161 = arith.muli %add3A_123, %mul3A_160 : i32
      %add3A_162 = arith.constant 32 : i32
      %add3A_163 = arith.addi %mul3A_161, %add3A_162 : i32
      %add3A_164 = vector.broadcast %add3A_163 : i32 to vector<16xi32>
      %add3A_165 = arith.addi %iota3A, %add3A_164 : vector<16xi32>
      %add3A_166 = arith.constant 32 : i32
      %add3A_167 = vector.broadcast %add3A_166 : i32 to vector<16xi32>
      %add3A_168 = arith.addi %iota3A, %add3A_167 : vector<16xi32>
      %gather3A_169 = tpu.vector_load_idx %arg9[%add3A_165] masked %lt3A_6 : memref<1664xi32, #tpu.memory_space<vmem>>[vector<16xi32>], vector<16xi32>, vector<16xi1>
      %gather3A_170 = tpu.vector_load_idx %arg11[%add3A_165] masked %lt3A_6 : memref<1664xi32, #tpu.memory_space<vmem>>[vector<16xi32>], vector<16xi32>, vector<16xi1>
      %gather3A_171 = tpu.vector_load_idx %arg15[%add3A_168, %gather3A_170] masked %lt3A_6 : memref<50x1000xf32, #tpu.memory_space<vmem>>[vector<16xi32>, vector<16xi32>], vector<16xf32>, vector<16xi1>
      %gather3A_172 = tpu.vector_load_idx %arg12[%gather3A_169] masked %lt3A_6 : memref<1000xf32, #tpu.memory_space<vmem>>[vector<16xi32>], vector<16xf32>, vector<16xi1>
      %sub3A_173 = arith.subf %gather3A_172, %gather3A_171 : vector<16xf32>
      %jit3A_174 = arith.constant 0.000000e+00 : f32
      %broadcast_in_dim3A_175 = vector.broadcast %jit3A_174 : f32 to vector<16xf32>
      %select_n3A_176 = arith.select %lt3A_6, %sub3A_173, %broadcast_in_dim3A_175 : vector<16xi1>, vector<16xf32>
      %add3A_177 = arith.addf %add3A_159, %select_n3A_176 : vector<16xf32>
      %lt3A_178 = arith.constant 2 : i32
      %lt3A_179 = vector.broadcast %lt3A_178 : i32 to vector<16xi32>
      %lt3A_180 = arith.cmpi slt, %iota3A, %lt3A_179 : vector<16xi32>
      %mul3A_181 = arith.constant 50 : i32
      %mul3A_182 = arith.muli %add3A_123, %mul3A_181 : i32
      %add3A_183 = arith.constant 48 : i32
      %add3A_184 = arith.addi %mul3A_182, %add3A_183 : i32
      %add3A_185 = vector.broadcast %add3A_184 : i32 to vector<16xi32>
      %add3A_186 = arith.addi %iota3A, %add3A_185 : vector<16xi32>
      %add3A_187 = arith.constant 48 : i32
      %add3A_188 = vector.broadcast %add3A_187 : i32 to vector<16xi32>
      %add3A_189 = arith.addi %iota3A, %add3A_188 : vector<16xi32>
      %gather3A_190 = tpu.vector_load_idx %arg9[%add3A_186] masked %lt3A_180 : memref<1664xi32, #tpu.memory_space<vmem>>[vector<16xi32>], vector<16xi32>, vector<16xi1>
      %gather3A_191 = tpu.vector_load_idx %arg11[%add3A_186] masked %lt3A_180 : memref<1664xi32, #tpu.memory_space<vmem>>[vector<16xi32>], vector<16xi32>, vector<16xi1>
      %gather3A_192 = tpu.vector_load_idx %arg15[%add3A_189, %gather3A_191] masked %lt3A_180 : memref<50x1000xf32, #tpu.memory_space<vmem>>[vector<16xi32>, vector<16xi32>], vector<16xf32>, vector<16xi1>
      %gather3A_193 = tpu.vector_load_idx %arg12[%gather3A_190] masked %lt3A_180 : memref<1000xf32, #tpu.memory_space<vmem>>[vector<16xi32>], vector<16xf32>, vector<16xi1>
      %sub3A_194 = arith.subf %gather3A_193, %gather3A_192 : vector<16xf32>
      %jit3A_195 = arith.constant 0.000000e+00 : f32
      %broadcast_in_dim3A_196 = vector.broadcast %jit3A_195 : f32 to vector<16xf32>
      %select_n3A_197 = arith.select %lt3A_180, %sub3A_194, %broadcast_in_dim3A_196 : vector<16xi1>, vector<16xf32>
      %add3A_198 = arith.addf %add3A_177, %select_n3A_197 : vector<16xf32>
      %add3A_199 = arith.addi %mul3A_4, %mul3A_25 : i32
      %add3A_200 = arith.constant 1 : i32
      %add3A_201 = arith.addi %add3A_199, %add3A_200 : i32
      "tpu.region"() ({
        %run_scoped3A = tpu.sem_alloc : memref<!tpu.dma_semaphore, #tpu.memory_space<semaphore_mem>>
        %dma_start3A_202 = arith.constant 0 : i32
        %dma_start3A_203 = arith.constant 0 : i32
        %dma_start3A_204 = tpu.memref_slice %arg7[%add3A_201, %dma_start3A_202, %dma_start3A_203] : memref<1024x50x1000xf32, #tpu.memory_space<hbm>> -> memref<1x50x1000xf32, #tpu.memory_space<hbm>>
        %dma_start3A_205 = tpu.memref_squeeze %dma_start3A_204 : memref<1x50x1000xf32, #tpu.memory_space<hbm>> -> memref<50x1000xf32, #tpu.memory_space<hbm>>
        %dma_start3A_206 = arith.constant 0 : i32
        %dma_start3A_207 = arith.constant 0 : i32
        %dma_start3A_208 = tpu.memref_slice %arg7[%add3A_201, %dma_start3A_206, %dma_start3A_207] : memref<1024x50x1000xf32, #tpu.memory_space<hbm>> -> memref<1x50x1000xf32, #tpu.memory_space<hbm>>
        %dma_start3A_209 = tpu.memref_squeeze %dma_start3A_208 : memref<1x50x1000xf32, #tpu.memory_space<hbm>> -> memref<50x1000xf32, #tpu.memory_space<hbm>>
        tpu.enqueue_dma source(%arg15 : memref<50x1000xf32, #tpu.memory_space<vmem>>) target(%dma_start3A_209 : memref<50x1000xf32, #tpu.memory_space<hbm>>) target_semaphore(%run_scoped3A : memref<!tpu.dma_semaphore, #tpu.memory_space<semaphore_mem>>)
        %dma_wait3A_210 = arith.constant 0 : i32
        %dma_wait3A_211 = arith.constant 0 : i32
        %dma_wait3A_212 = tpu.memref_slice %arg7[%add3A_201, %dma_wait3A_210, %dma_wait3A_211] : memref<1024x50x1000xf32, #tpu.memory_space<hbm>> -> memref<1x50x1000xf32, #tpu.memory_space<hbm>>
        %dma_wait3A_213 = tpu.memref_squeeze %dma_wait3A_212 : memref<1x50x1000xf32, #tpu.memory_space<hbm>> -> memref<50x1000xf32, #tpu.memory_space<hbm>>
        %dma_wait3A_214 = arith.constant 0 : i32
        %dma_wait3A_215 = arith.constant 0 : i32
        %dma_wait3A_216 = tpu.memref_slice %arg7[%add3A_201, %dma_wait3A_214, %dma_wait3A_215] : memref<1024x50x1000xf32, #tpu.memory_space<hbm>> -> memref<1x50x1000xf32, #tpu.memory_space<hbm>>
        %dma_wait3A_217 = tpu.memref_squeeze %dma_wait3A_216 : memref<1x50x1000xf32, #tpu.memory_space<hbm>> -> memref<50x1000xf32, #tpu.memory_space<hbm>>
        tpu.wait_dma2 semaphore(%run_scoped3A : memref<!tpu.dma_semaphore, #tpu.memory_space<semaphore_mem>>) src(%arg15 : memref<50x1000xf32, #tpu.memory_space<vmem>>) dst(%dma_wait3A_217 : memref<50x1000xf32, #tpu.memory_space<hbm>>)
        tpu.yield
      }) : () -> ()
      scf.yield %add3A_198 : vector<16xf32>
    }
    %scan3A_18 = arith.constant 16 : i32
    %swap3A = arith.constant 0 : index
    %swap3A_19 = tpu.vector_load %arg13[%swap3A] {strides = array<i32>} : memref<16xf32, #tpu.memory_space<vmem>>, vector<16xf32>,
    tpu.vector_store %arg13[%swap3A], %scan3A_17 {strides = array<i32>} : memref<16xf32, #tpu.memory_space<vmem>>, vector<16xf32>,
    %mul3A_20 = arith.constant 16 : i32
    %mul3A_21 = arith.muli %add3A, %mul3A_20 : i32
    "tpu.region"() ({
      %run_scoped3A = tpu.sem_alloc : memref<!tpu.dma_semaphore, #tpu.memory_space<semaphore_mem>>
      %dma_start3A_22 = tpu.memref_slice %arg8[%mul3A_21] : memref<512xf32, #tpu.memory_space<hbm>> -> memref<16xf32, #tpu.memory_space<hbm>>
      %dma_start3A_23 = tpu.memref_slice %arg8[%mul3A_21] : memref<512xf32, #tpu.memory_space<hbm>> -> memref<16xf32, #tpu.memory_space<hbm>>
      tpu.enqueue_dma source(%arg13 : memref<16xf32, #tpu.memory_space<vmem>>) target(%dma_start3A_23 : memref<16xf32, #tpu.memory_space<hbm>>) target_semaphore(%run_scoped3A : memref<!tpu.dma_semaphore, #tpu.memory_space<semaphore_mem>>)
      %dma_wait3A = tpu.memref_slice %arg8[%mul3A_21] : memref<512xf32, #tpu.memory_space<hbm>> -> memref<16xf32, #tpu.memory_space<hbm>>
      %dma_wait3A_24 = tpu.memref_slice %arg8[%mul3A_21] : memref<512xf32, #tpu.memory_space<hbm>> -> memref<16xf32, #tpu.memory_space<hbm>>
      tpu.wait_dma2 semaphore(%run_scoped3A : memref<!tpu.dma_semaphore, #tpu.memory_space<semaphore_mem>>) src(%arg13 : memref<16xf32, #tpu.memory_space<vmem>>) dst(%dma_wait3A_24 : memref<16xf32, #tpu.memory_space<hbm>>)
      tpu.yield
    }) : () -> ()
    return
  }
}

module attributes {stable_mosaic.version = 14 : i64} {
  func.func @_lse_body(%arg0: memref<1000x1000xf32, #tpu.memory_space<vmem>>, %arg1: memref<1000x1xf32, #tpu.memory_space<vmem>>) attributes {dimension_semantics = [], scalar_prefetch = 0 : i64, scratch_operands = 0 : i64, tpu.core_type = #tpu.core_type<tc>} {
    %get3A = arith.constant 0 : index
    %get3A_0 = arith.constant 0 : index
    %get3A_1 = vector.load %arg0[%get3A, %get3A_0] : memref<1000x1000xf32, #tpu.memory_space<vmem>>, vector<1000x1000xf32>
    %reduce_max3A = arith.constant dense<0xFF800000> : vector<1000xf32>
    %reduce_max3A_2 = vector.multi_reduction <maximumf>, %get3A_1, %reduce_max3A [1] : vector<1000x1000xf32> to vector<1000xf32>
    %broadcast_in_dim3A = vector.shape_cast %reduce_max3A_2 : vector<1000xf32> to vector<1000x1xf32>
    %sub3A = vector.broadcast %broadcast_in_dim3A : vector<1000x1xf32> to vector<1000x1000xf32>
    %sub3A_3 = arith.subf %get3A_1, %sub3A : vector<1000x1000xf32>
    %exp3A = math.exp %sub3A_3 : vector<1000x1000xf32>
    %reduce_sum3A = arith.constant dense<0.000000e+00> : vector<1000xf32>
    %reduce_sum3A_4 = vector.multi_reduction <add>, %exp3A, %reduce_sum3A [1] : vector<1000x1000xf32> to vector<1000xf32>
    %broadcast_in_dim3A_5 = vector.shape_cast %reduce_sum3A_4 : vector<1000xf32> to vector<1000x1xf32>
    %log3A = math.log %broadcast_in_dim3A_5 : vector<1000x1xf32>
    %add3A = arith.addf %broadcast_in_dim3A, %log3A : vector<1000x1xf32>
    %swap3A = arith.constant 0 : index
    %swap3A_6 = arith.constant 0 : index
    %swap3A_7 = vector.load %arg1[%swap3A, %swap3A_6] : memref<1000x1xf32, #tpu.memory_space<vmem>>, vector<1000x1xf32>
    tpu.vector_store %arg1[%swap3A, %swap3A_6], %add3A {strides = array<i32>} : memref<1000x1xf32, #tpu.memory_space<vmem>>, vector<1000x1xf32>,
    return
  }
}

module attributes {stable_mosaic.version = 14 : i64} {
  func.func @_final_body(%arg0: memref<32x16xf32, #tpu.memory_space<vmem>>, %arg1: memref<1x1xf32, #tpu.memory_space<smem>>) attributes {dimension_semantics = [], scalar_prefetch = 0 : i64, scratch_operands = 0 : i64, tpu.core_type = #tpu.core_type<tc>} {
    %get3A = arith.constant 0 : index
    %get3A_0 = arith.constant 0 : index
    %get3A_1 = vector.load %arg0[%get3A, %get3A_0] : memref<32x16xf32, #tpu.memory_space<vmem>>, vector<32x16xf32>
    %reduce_sum3A = vector.shape_cast %get3A_1 : vector<32x16xf32> to vector<1x32x16xf32>
    %reduce_sum3A_2 = arith.constant dense<0.000000e+00> : vector<1xf32>
    %reduce_sum3A_3 = vector.multi_reduction <add>, %reduce_sum3A, %reduce_sum3A_2 [1, 2] : vector<1x32x16xf32> to vector<1xf32>
    %reduce_sum3A_4 = vector.shape_cast %reduce_sum3A_3 : vector<1xf32> to vector<1x1x1xf32>
    %reduce_sum3A_5 = vector.extract %reduce_sum3A_4[0, 0, 0] : f32 from vector<1x1x1xf32>
    %div3A = arith.constant 5.120000e+04 : f32
    %div3A_6 = arith.divf %reduce_sum3A_5, %div3A : f32
    %swap3A = arith.constant 0 : index
    %swap3A_7 = arith.constant 0 : index
    %swap3A_8 = memref.load %arg1[%swap3A, %swap3A_7] : memref<1x1xf32, #tpu.memory_space<smem>>
    memref.store %div3A_6, %arg1[%swap3A, %swap3A_7] : memref<1x1xf32, #tpu.memory_space<smem>>
    return
  }
}

</mosaic_0001>

<sc_bundles>
// kernel: kernel.5.cloned.1.call-start
scs
__scs_entry_jumppad:
0x0: {  	(pc) =	sbr.rel $0x88, $3  }
0x1: {  	(tag) =	ssettag $0x0;
	lr =	simm.s32 $0x1  }
0x2: {  	[smem:$0x3F9E] =	sst lr;
	_ =	strace $0xD0000000  }
0x3: {  	_ = 	snop  }
0x4: {  	_ = 	snop  }
0x5: {  	_ = 	snop  }
0x6: {  	_ = 	snop  }
0x7: {  	_ = 	snop  }
__scs_overlays_trampoline_lowered:
0x8: {  	[smem:$0x3FAD] =	sst s0  }
0x9: {  	[smem:$0x3FAE] =	sst s1  }
0xa: {  	[smem:$0x3FAF] =	sst s2  }
0xb: {  	[smem:$0x3FB0] =	sst s3  }
0xc: {  	[smem:$0x3FB1] =	sst s4  }
0xd: {  	[smem:$0x3FB2] =	sst s5  }
0xe: {  	[smem:$0x3FB3] =	sst s6  }
0xf: {  	[smem:$0x3FB4] =	sst s7  }
0x10: {  	[smem:$0x3FB5] =	sst s8  }
0x11: {  	[smem:$0x3FB6] =	sst s9;
	s0 =	simm.s32 @!p0 $0x0  }
0x12: {  	s1 =	sld [smem:$0x3F9C];
	s0 =	simm.s32 @p0 $0x1  }
0x13: {  	[smem:$0x3FB7] =	sst s0;
	s0 =	simm.s32 @!p1 $0x0  }
0x14: {  	s2 =	sld [smem:$0x3F9B];
	s0 =	simm.s32 @p1 $0x1  }
0x15: {  	[smem:$0x3FB8] =	sst s0;
	s0 =	simm.s32 @!p2 $0x0  }
0x16: {  	s3 =	sld [smem:$0x3FDB];
	s0 =	simm.s32 @p2 $0x1  }
0x17: {  	s4 =	simm.s32 $0x1BF5;
	[smem:$0x3FBA] =	sst s0  }
0x18: {  	s0 =	sld [smem:$0x3F9D];
	_ =	swait.ge [sflag:s4], $0x0  }
0x19: {  	s7 =	sld [smem:$0x3F9E]  }
0x1a: {  	s8 =	sadd.s32 $0xFFFFE003, lr  }
0x1b: {  	s9 =	sadd.s32 $0xFFFFFEF7, lr;
	s5 =	simm.s32 $0xFFFFFFFF;
	p2 =	slt.u32 s8, $0xFFFFF086  }
0x1c: {  	p1 =	slt.u32 s9, $0xF7A;
	s5 =	simm.s32 @!p2 $0x0  }
0x1d: {  	s5 =	simm.s32 @p1 $0x1;
	p0 =	seq.s32 s7, s2  }
0x1e: {  	s7 =	smul.u32 @!p0 $0xF7A, s2;
	p2 =	seq.s32 @!p0 s5, $0x0  }
0x1f: {  	s9 =	smul.u32 $0xF7A, s1;
	s8 =	simm.s32 @!p0 $0x1BF5;
	p2 =	por !p2, p0  }
0x20: {  	[sflag:s8] =	ssyncset.s32 @!p0 $0xFFFFF086;
	s6 =	sadd.s32 @!p0 s3, s7;
	s7 =	simm.s32 @!p0 $0x108  }
0x21: {  	s3 =	sadd.s32 s3, s9;
	s6 =	sadd.s32 @!p0 $0x88, s6;
	s7 =	simm.s32 @p2 $0x1082  }
0x22: {  	[simem:s7], [sflag:s8] =	dma.local @!p0 [hbm:s6], $0xF7A  }
0x23: {  	s9 =	sor.u32 $0xD0000000, s2;
	s6 =	simm.s32 $0x108;
	_ =	swait.ge @!p0 [sflag:s8], $0x0  }
0x24: {  	s3 =	sadd.s32 $0x88, s3;
	s6 =	simm.s32 @!p1 $0x1082;
	[sflag:s4] =	ssyncset.s32 $0xFFFFF086  }
0x25: {  	[simem:s6], [sflag:s4] =	dma.local [hbm:s3], $0xF7A  }
0x26: {  	[smem:$0x3F9E] =	sst s1;
	(tag) =	ssettag s2;
	_ =	strace s9  }
0x27: {  	s1 =	sld [smem:$0x3FAE]  }
0x28: {  	s2 =	sld [smem:$0x3FAF]  }
0x29: {  	s4 =	sld [smem:$0x3FB1]  }
0x2a: {  	p0 =	seq.s32 s5, $0x0;
	s5 =	sld [smem:$0x3FB2]  }
0x2b: {  	s6 =	sld [smem:$0x3FB3]  }
0x2c: {  	s7 =	sld [smem:$0x3FB4]  }
0x2d: {  	s3 =	simm.s32 $0x108;
	s8 =	sld [smem:$0x3FB5]  }
0x2e: {  	s3 =	simm.s32 @!p0 $0x1082;
	s9 =	sld [smem:$0x3FB6]  }
0x2f: {  	lr =	sadd.s32 s0, s3;
	s0 =	sld [smem:$0x3FAD]  }
0x30: {  	s3 =	sld [smem:$0x3FB0]  }
0x31: {  	[smem:$0x3FB9] =	sst s10  }
0x32: {  	s10 =	sld [smem:$0x3FB7];
	_ =	sdelay $0x3  }
0x33: {  	p0 =	seq.s32 s10, $0x1;
	s10 =	sld [smem:$0x3FB9];
	_ =	sdelay $0x3  }
0x34: {  	[smem:$0x3FB9] =	sst s10  }
0x35: {  	s10 =	sld [smem:$0x3FB8];
	_ =	sdelay $0x3  }
0x36: {  	p1 =	seq.s32 s10, $0x1;
	s10 =	sld [smem:$0x3FB9];
	_ =	sdelay $0x3  }
0x37: {  	[smem:$0x3FB9] =	sst s10  }
0x38: {  	s10 =	sld [smem:$0x3FBA]  }
0x39: {  	_ = 	snop;
	(pc) =	sbr.ind lr, $3  }
0x3a: {  	_ = 	snop  }
0x3b: {  	_ = 	snop  }
0x3c: {  	p2 =	seq.s32 s10, $0x1;
	s10 =	sld [smem:$0x3FB9]  }
0x3d: {  	_ =	shalt  }
0x3e: {  	_ =	shalt  }
0x3f: {  	_ =	shalt  }
0x40: {  	_ =	shalt  }
0x41: {  	_ =	shalt  }
0x42: {  	_ =	shalt  }
0x43: {  	_ =	shalt  }
0x44: {  	_ =	shalt  }
0x45: {  	_ =	shalt  }
0x46: {  	_ =	shalt  }
0x47: {  	_ =	shalt  }
0x48: {  	_ =	shalt  }
0x49: {  	_ =	shalt  }
0x4a: {  	_ =	shalt  }
0x4b: {  	_ =	shalt  }
0x4c: {  	_ =	shalt  }
0x4d: {  	_ =	shalt  }
0x4e: {  	_ =	shalt  }
0x4f: {  	_ =	shalt  }
0x50: {  	_ =	shalt  }
0x51: {  	_ =	shalt  }
0x52: {  	_ =	shalt  }
0x53: {  	_ =	shalt  }
0x54: {  	_ =	shalt  }
0x55: {  	_ =	shalt  }
0x56: {  	_ =	shalt  }
0x57: {  	_ =	shalt  }
0x58: {  	_ =	shalt  }
0x59: {  	_ =	shalt  }
0x5a: {  	_ =	shalt  }
0x5b: {  	_ =	shalt  }
0x5c: {  	_ =	shalt  }
0x5d: {  	_ =	shalt  }
0x5e: {  	_ =	shalt  }
0x5f: {  	_ =	shalt  }
0x60: {  	_ =	shalt  }
0x61: {  	_ =	shalt  }
0x62: {  	_ =	shalt  }
0x63: {  	_ =	shalt  }
0x64: {  	_ =	shalt  }
0x65: {  	_ =	shalt  }
0x66: {  	_ =	shalt  }
0x67: {  	_ =	shalt  }
0x68: {  	_ =	shalt  }
0x69: {  	_ =	shalt  }
0x6a: {  	_ =	shalt  }
0x6b: {  	_ =	shalt  }
0x6c: {  	_ =	shalt  }
0x6d: {  	_ =	shalt  }
0x6e: {  	_ =	shalt  }
0x6f: {  	_ =	shalt  }
0x70: {  	_ =	shalt  }
0x71: {  	_ =	shalt  }
0x72: {  	_ =	shalt  }
0x73: {  	_ =	shalt  }
0x74: {  	_ =	shalt  }
0x75: {  	_ =	shalt  }
0x76: {  	_ =	shalt  }
0x77: {  	_ =	shalt  }
0x78: {  	_ =	shalt  }
0x79: {  	_ =	shalt  }
0x7a: {  	_ =	shalt  }
0x7b: {  	_ =	shalt  }
0x7c: {  	_ =	shalt  }
0x7d: {  	_ =	shalt  }
0x7e: {  	_ =	shalt  }
0x7f: {  	_ =	shalt  }
0x80: {  	_ =	shalt  }
0x81: {  	_ =	shalt  }
0x82: {  	_ =	shalt  }
0x83: {  	_ =	shalt  }
0x84: {  	_ =	shalt  }
0x85: {  	_ =	shalt  }
0x86: {  	_ =	shalt  }
0x87: {  	_ =	shalt  }
.Lfunc_end0:
.L_simem_size_0:
called_computation.1_lowered:
.L_overlay_start_0:
0x88: {  	s2 =	sld [smem:$0x3FD9]  }
0x89: {  	s3 =	sld [smem:$0x3FFE];
	_ =	sdelay $0x1  }
0x8a: {  	s1 =	srdreg.scid  }
0x8b: {  	s0 =	sand.u32 $0x1, s1  }
0x8c: {  	s14 =	sshll.u32 s0, $0xA;
	s2 =	sadd.s32 s3, s2  }
0x8d: {  	s2 =	sadd.s32 s2, s14  }
0x8e: {  	[smem:$0x3FC5] =	sst s2  }
0x8f: {  	_ = 	snop  }
0x90: {  	s2 =	sld [smem:$0x3FD0];
	_ =	sdelay $0x2  }
0x91: {  	s15 =	simm.s32 $0xA;
	s4 =	simm.s32 $0x10  }
0x92: {  	[smem:s4], [sflag:s15] =	dma.local [hbm:s2], $0x1  }
0x93: {  	_ =	swait.eq [sflag:s15], $0x1  }
0x94: {  	[sflag:s15] =	ssyncset.done $0x0  }
0x95: {  	[sflag:s15] =	ssyncadd.s32 $0xFFFFFFFF  }
0x96: {  	s16 =	sld [smem:$0x10];
	(tm) =	ssettm $0x1  }
0x97: {  	s17 =	sld [smem:$0x3FFB];
	_ =	sdelay $0x3  }
0x98: {  	_ =	strace s17  }
0x99: {  	s3 =	sld [smem:$0x3FFC];
	_ =	sdelay $0x3  }
0x9a: {  	_ =	strace s3  }
0x9b: {  	s3 =	sld [smem:$0x3FFD];
	_ =	sdelay $0x3  }
0x9c: {  	_ =	strace s3  }
0x9d: {  	_ =	strace $0x8FFFFFFF  }
0x9e: {  	s18 =	sld [smem:$0x3FDB];
	_ =	sdelay $0x1  }
0x9f: {  	s19 =	simm.s32 $_scs_section_size  }
0xa0: {  	s5 =	simm.s32 $_size__tile_overlayer_lowered;
	s6 =	simm.s32 $_tile_overlayer_lowered  }
0xa1: {  	s22 =	simm.s32 $0x1BFF;
	s21 =	sshll.u32 s6, $0x1;
	s3 =	sadd.s32 s19, s18  }
0xa2: {  	s7 =	simm.s32 $0x0;
	s20 =	sshll.u32 s5, $0x1;
	s5 =	sadd.s32 s21, s3  }
0xa3: {  	[timem:s7], [sflag:s22] =	dma.local [hbm:s5], s20  }
0xa4: {  	_ =	swait.ge [sflag:s22], s20  }
0xa5: {  	s4 =	ssub.s32 $0x0, s20;
	[sflag:s22] =	ssyncset.done $0x0  }
0xa6: {  	[sflag:s22] =	ssyncadd.s32 s4;
	_ =	sdelay $0x1  }
0xa7: {  	s23 =	simm.s32 $0x1B8B  }
0xa8: {  	_ =	swait.ge [sflag:s23], $0x1  }
0xa9: {  	[sflag:s23] =	ssyncset.done $0x0  }
0xaa: {  	s25 =	simm.s32 $0x1B8E;
	s24 =	sld [smem:$0x3FFE];
	[sflag:s23] =	ssyncadd.s32 $0xFFFFFFFF  }
0xab: {  	s26 =	simm.s32 $execute0_lowered;
	[smem:$0x3FD2] =	sst s25  }
0xac: {  	s5 =	sshll.u32 s26, $0x1;
	_ =	strace $0x80000046;
	[dreg:$0x1] =	wrdreg $0xFFFFFFFF  }
0xad: {  	s28 =	simm.s32 $_size_execute0_lowered;
	s3 =	sadd.s32 s3, s5;
	[dreg:$0x0] =	wrdreg $0x0  }
0xae: {  	s5 =	sshll.u32 s28, $0x1;
	[dreg:$0x2] =	wrdreg s3  }
0xaf: {  	[dreg:$0x3] =	wrdreg s5  }
0xb0: {  	[dreg:$0x4] =	wrdreg $0xC0  }
0xb1: {  	_ =	task [dreg:s7], $0x5FFFF  }
0xb2: {  	[dreg:$0x1] =	wrdreg $0xFFFFFFFF  }
0xb3: {  	[dreg:$0x0] =	wrdreg $0x60  }
0xb4: {  	[dreg:$0x2] =	wrdreg s24  }
0xb5: {  	[dreg:$0x3] =	wrdreg s16  }
0xb6: {  	[dreg:$0x4] =	wrdreg $0x9  }
0xb7: {  	_ =	task.clear_ibuf [dreg:s7], $0x5FFFF;
	_ =	strace $0x90000046  }
0xb8: {  	s29 =	simm.s32 $0x9;
	_ =	strace $0x80000048  }
0xb9: {  	_ =	swait.ge [sflag:s29], $0x1  }
0xba: {  	[sflag:s29] =	ssyncadd.s32 $0xFFFFFFFF  }
0xbb: {  	_ =	strace $0x90000048  }
0xbc: {  	_ =	sfence  }
0xbd: {  	s30 =	sld [smem:$0x0];
	_ =	sdelay $0x2  }
0xbe: {  	s31 =	sshll.u32 s1, $0xD;
	s1 =	sshrl.u32 s1, $0x2  }
0xbf: {  	s3 =	sand.u32 $0x4000, s31;
	s1 =	sadd.s32 s1, s30  }
0xc0: {  	s0 =	sor.u32 s3, s0;
	s1 =	sshll.u32 s1, $0x11  }
0xc1: {  	s0 =	sor.u32 s1, s0  }
0xc2: {  	s0 =	sadd.s32 $0x8F2B, s0  }
0xc3: {  	[sflag:s0] =	ssyncadd.remote.s32 $0x1  }
0xc4: {  	_ =	sfence.sel $0xFFFF  }
0xc5: {  	[dreg:$0x0] =	wrdreg $0xFFFFFFFF;
	(pc) =	sbr.abs _section_cstart, $3  }
0xc6: {  	[dreg:$0x1] =	wrdreg $0xFFFFFFFF  }
0xc7: {  	_ =	task.clear_ibuf [dreg:s7], $0x2FFFF;
	_ =	strace $0x9FFFFFFF  }
0xc8: {  	(tm) =	ssettm $0x7FFFFFFF  }
0xc9: {  	_ =	shalt  }
tec
execute0_lowered:
.L_overlay_start_1:
0x0: {  	(tag) =	ssettag $0x1  }
0x1: {  	s1 =	srdreg.scid;
	s5 =	rddreg [dreg:$0x0]  }
0x2: {  	s0 =	stileid.u32;
	s11 =	rddreg [dreg:$0x1];
	s2 =	simm.s32 $0x0  }
0x3: {  	s15 =	simm.s32 $0x1400;
	s16 =	simm.s32 $0x32;
	s17 =	simm.s32 $0x17F8  }
0x4: {  	s18 =	simm.s32 $0xDB48;
	s19 =	simm.s32 $0x1;
	s10 =	smul.u32 $0x30D400, s0  }
0x5: {  	s20 =	simm.s32 $0x2;
	s9 =	sand.u32 $0x1, s1;
	s30 =	smul.u32 $0x61A80, s0  }
0x6: {  	s21 =	simm.s32 $0x17E8;
	s28 =	sshll.u32 s0, $0x1;
	s14 =	smul.u32 $0x186A00, s9  }
0x7: {  	[smem:$0x7FF] =	sst s2;
	s4 =	sor.u32 s9, s28;
	s31 =	smul.u32 $0x30D40, s9  }
0x8: {  	s22 =	simm.s32 $0x0;
	_ =	strace $0x80000047;
	s3 =	smul.u32 $0xE0, s4  }
0x9: {  	s8 =	ssub.s32 $0x2, s9;
	s6 =	smul.u32 $0xC8, s4;
	s12 =	sshll.u32 s4, $0x1  }
0xa: {  	s13 =	sshrl.u32 s8, $0x1;
	s4 =	sadd.s32 $0xC00, s5;
	s12 =	sadd.s32 s12, s5  }
0xb: {  	s13 =	ssub.s32 s8, s13;
	s29 =	sadd.s32 s14, s10;
	s14 =	simm.s32 $0x680  }
0xc: {  	s7 =	sadd.s32 s3, s5;
	s6 =	sadd.s32 s6, s5;
	s3 =	sadd.s32 $0x24600, s5  }
0xd: {  	v0 =	vlaneseq.u32;
	s10 =	sadd.s32 $0xC350, s29;
	s8 =	sadd.s32 $0x24800, s12;
	s9 =	smax.u32 s13, $0x1  }
0xe: {  	v1 =	vmul.u32 $0x3E8, v0;
	s12 =	simm.s32 $0x3;
	s13 =	simm.s32 $0xD80;
	s10 =	sshrl.u32 s10, $0x3  }
0xf: {  	vm0 =	vmmov $0x3;
	s5 =	sadd.s32 $0x1F600, s6;
	s10 =	sadd.s32 s10, s11;
	s11 =	sadd.s32 s30, s11  }
0x10: {  	v2 =	vadd.s32 $0x3E80, v1;
	v3 =	vadd.s32 $0x7D00, v1;
	v4 =	vadd.s32 $0xBB80, v1;
	s6 =	sadd.s32 $0x22C00, s6;
	s7 =	sadd.s32 $0x21000, s7;
	s11 =	sadd.s32 s31, s11  }
.LBB2_1:
0x11: {  	[tilespmem:s2], [sflag:$0x3] =	stream.linear.gather [hbm4b:s5+s2], $0x640, $0x38;
	[tilespmem:$0x19E98] =	vst v63  }
0x12: {  	_ =	swait.ge [sflag:s12], $0x640  }
0x13: {  	[sflag:s12] =	ssyncset.done $0x0  }
0x14: {  	[sflag:s12] =	ssyncadd.s32 $0xFFFFF9C0  }
0x15: {  	[tilespmem:s13], [sflag:$0x3] =	stream.linear.gather [hbm4b:s6+s2], $0x640, $0x38;
	[tilespmem:$0x19E98] =	vst v63  }
0x16: {  	_ =	swait.ge [sflag:s12], $0x640  }
0x17: {  	[sflag:s12] =	ssyncset.done $0x0  }
0x18: {  	[sflag:s12] =	ssyncadd.s32 $0xFFFFF9C0  }
0x19: {  	[tilespmem:s14], [sflag:$0x3] =	stream.linear.gather [hbm4b:s7+s2], $0x700, $0x38;
	[tilespmem:$0x19E98] =	vst v63  }
0x1a: {  	_ =	swait.ge [sflag:s12], $0x700  }
0x1b: {  	[sflag:s12] =	ssyncset.done $0x0  }
0x1c: {  	[sflag:s12] =	ssyncadd.s32 $0xFFFFF900  }
0x1d: {  	[tilespmem:s15], [sflag:$0x3] =	stream.linear.gather [hbm4b:s3+s2], $0x3E8, $0x38;
	[tilespmem:$0x19E98] =	vst v63  }
0x1e: {  	_ =	swait.ge [sflag:s12], $0x3E8  }
0x1f: {  	[sflag:s12] =	ssyncset.done $0x0  }
0x20: {  	s23 =	simm.s32 $0x20;
	[sflag:s12] =	ssyncadd.s32 $0xFFFFFC18  }
0x21: {  	[tilespmem:s17], [sflag:$0x1] =	stream.indirect.gather [hbm4b:s4+s16], $0x3E8, s14, s16, $0xb8;
	[tilespmem:$0x19E98] =	vst v63  }
0x22: {  	s24 =	simm.s32 $0x30;
	s25 =	simm.s32 $0x6B8;
	v5 =	vadd.s32 s23, v0  }
0x23: {  	v6 =	vadd.s32 s2, v0;
	[tilespmem:s18], [sflag:$0x2] =	stream.indirect.gather [hbm4b:s4+s16], $0x3E8, s25, s16, $0xb8;
	[tilespmem:$0x19E98] =	vst v63  }
0x24: {  	s26 =	simm.s32 $0x10;
	v7 =	vadd.s32 s24, v0;
	_ =	swait.ge [sflag:s19], $0xC350  }
0x25: {  	v8 =	vadd.s32 s26, v0;
	[sflag:s19] =	ssyncset.done $0x0  }
0x26: {  	[sflag:s19] =	ssyncadd.s32 $0xFFFF3CB0  }
0x27: {  	v9 =	vld.idx.msk [tilespmem:v5+s2+$0x0], $0xffff  }
0x28: {  	v10 =	vld.idx.msk [tilespmem:v6+s13+$0x0], $0xffff  }
0x29: {  	v11 =	vld.idx.msk [tilespmem:v7+s13+$0x0], $0x3  }
0x2a: {  	v12 =	vld.idx.msk [tilespmem:v8+s13+$0x0], $0xffff  }
0x2b: {  	v7 =	vld.idx.msk [tilespmem:v7+s2+$0x0], $0x3  }
0x2c: {  	v6 =	vld.idx.msk [tilespmem:v6+s2+$0x0], $0xffff  }
0x2d: {  	v8 =	vld.idx.msk [tilespmem:v8+s2+$0x0], $0xffff;
	_ =	sdelay $0x1  }
0x2e: {  	v5 =	vld.idx.msk [tilespmem:v5+s13+$0x0], $0xffff;
	_ =	sdelay $0x1  }
0x2f: {  	v10 =	vadd.s32 v1, v10  }
0x30: {  	v11 =	vadd.s32 v4, v11;
	v9 =	vld.idx.msk [tilespmem:v9+s15+$0x0], $0xffff  }
0x31: {  	v12 =	vadd.s32 v2, v12;
	v15 =	vld.idx.msk [tilespmem:v7+s15+$0x0], $0x3  }
0x32: {  	v5 =	vadd.s32 v3, v5;
	v6 =	vld.idx.msk [tilespmem:v6+s15+$0x0], $0xffff  }
0x33: {  	v8 =	vld.idx.msk [tilespmem:v8+s15+$0x0], $0xffff  }
0x34: {  	v10 =	vld.idx.msk [tilespmem:v10+s17+$0x0], $0xffff  }
0x35: {  	v14 =	vld.idx.msk [tilespmem:v11+s17+$0x0], $0x3  }
0x36: {  	v11 =	vld.idx.msk [tilespmem:v12+s17+$0x0], $0xffff  }
0x37: {  	v5 =	vld.idx.msk [tilespmem:v5+s17+$0x0], $0xffff;
	[hbm4b:s11+s2] =	stream.linear.scatter [tilespmem:s17], [sflag:$0x3], $0xC350, $0x38  }
0x38: {  	s29 =	simm.s32 $0x42;
	p0 =	por $0x0, $0x0;
	_ =	swait.ge [sflag:s12], $0xC350  }
0x39: {  	s23 =	simm.s32 $0x6F0;
	s25 =	simm.s32 $0x32;
	[sflag:s12] =	ssyncset.done $0x0  }
0x3a: {  	s26 =	simm.s32 @!p0 $0x32;
	s28 =	simm.s32 @!p0 $0x17F8;
	v7 =	vadd.s32 s25, v0;
	[sflag:s12] =	ssyncadd.s32 $0xFFFF3CB0  }
0x3b: {  	v12 =	vadd.s32 s29, v0;
	[tilespmem:s28], [sflag:$0x1] =	stream.indirect.gather @!p0 [hbm4b:s4+s26], $0x3E8, s23, s26, $0xb8;
	[tilespmem:$0x19E98] =	vst v63  }
0x3c: {  	_ =	swait.ge [sflag:s20], $0xC350  }
0x3d: {  	s30 =	simm.s32 $0x52;
	[sflag:s20] =	ssyncset.done $0x0  }
0x3e: {  	v13 =	vadd.s32 s30, v0;
	[sflag:s20] =	ssyncadd.s32 $0xFFFF3CB0  }
0x3f: {  	s31 =	simm.s32 $0x62;
	v16 =	vld.idx.msk [tilespmem:v7+s13+$0x0], $0xffff  }
0x40: {  	v18 =	vadd.s32 s31, v0;
	v17 =	vld.idx.msk [tilespmem:v12+s13+$0x0], $0xffff  }
0x41: {  	v19 =	vld.idx.msk [tilespmem:v7+s2+$0x0], $0xffff  }
0x42: {  	v21 =	vld.idx.msk [tilespmem:v12+s2+$0x0], $0xffff  }
0x43: {  	v20 =	vld.idx.msk [tilespmem:v13+s13+$0x0], $0xffff;
	_ =	sdelay $0x1  }
0x44: {  	v61 =	vld.idx.msk [tilespmem:v18+s13+$0x0], $0x3  }
0x45: {  	v7 =	vld.idx.msk [tilespmem:v13+s2+$0x0], $0xffff;
	v12 =	vadd.s32 v1, v16  }
0x46: {  	v6 =	vsub.f32 v6, v10;
	v13 =	vld.idx.msk [tilespmem:v18+s2+$0x0], $0x3;
	v17 =	vadd.s32 v2, v17  }
0x47: {  	v10 =	vimm.f32 $0.0e+00;
	v62 =	vadd.s32 v3, v20  }
0x48: {  	v8 =	vsub.f32 v8, v11;
	v6 =	vadd.f32 v6, v10;
	v10 =	vld.idx.msk [tilespmem:v19+s15+$0x0], $0xffff  }
0x49: {  	v63 =	vsub.f32 v9, v5;
	v11 =	vld.idx.msk [tilespmem:v21+s15+$0x0], $0xffff  }
0x4a: {  	v5 =	vsub.f32 v15, v14;
	v6 =	vadd.f32 v8, v6;
	v14 =	vadd.s32 v4, v61;
	v12 =	vld.idx.msk [tilespmem:v12+s18+$0x0], $0xffff  }
0x4b: {  	s24 =	smov.u32 s10;
	v9 =	vld.idx.msk [tilespmem:v17+s18+$0x0], $0xffff  }
0x4c: {  	s25 =	simm.s32 $0x64;
	s26 =	sadd.s32 $0x30D4, s11;
	s28 =	smov.u32 s10;
	v6 =	vadd.f32 v63, v6;
	v8 =	vld.idx.msk [tilespmem:v62+s18+$0x0], $0xffff  }
.LBB2_2:
0x4d: {  	s23 =	sadd.s32 $0x70, s23  }
0x4e: {  	v13 =	vld.idx.msk [tilespmem:v13+s15+$0x0], $0x3;
	s28 =	sadd.s32 $0x30D4, s28;
	s29 =	smov.u32 s25;
	s25 =	sadd.s32 $0x64, s25  }
0x4f: {  	v5 =	vnsel vm0, $0x0, v5;
	s30 =	sadd.s32 $0x10, s29;
	s31 =	sadd.s32 $0x20, s29;
	p0 =	sne.s32 s25, $0x640;
	v14 =	vld.idx.msk [tilespmem:v14+s18+$0x0], $0x3  }
0x50: {  	v15 =	vadd.s32 s29, v0;
	s1 =	sadd.s32 $0x30, s29;
	v5 =	vadd.f32 v5, v6;
	v6 =	vld.idx.msk [tilespmem:v7+s15+$0x0], $0xffff;
	v7 =	vsub.f32 v10, v12  }
0x51: {  	v10 =	vadd.s32 s30, v0;
	v12 =	vadd.s32 s31, v0;
	[hbm4b:s24+s2] =	stream.linear.scatter [tilespmem:s18], [sflag:$0x3], $0xC350, $0x38;
	[tilespmem:$0x19E98] =	vst v63  }
0x52: {  	v16 =	vadd.s32 s1, v0;
	s24 =	smov.u32 s28;
	v5 =	vadd.f32 v7, v5;
	v7 =	vsub.f32 v11, v9;
	_ =	swait.ge [sflag:s12], $0xC350  }
0x53: {  	[sflag:s12] =	ssyncset.done $0x0  }
0x54: {  	s1 =	sadd.s32 $0xFFFFFFC8, s23;
	v5 =	vadd.f32 v7, v5;
	[sflag:s12] =	ssyncadd.s32 $0xFFFF3CB0  }
0x55: {  	v7 =	vsub.f32 v13, v14;
	[tilespmem:s18], [sflag:$0x2] =	stream.indirect.gather [hbm4b:s4+s16], $0x3E8, s1, s16, $0xb8;
	[tilespmem:$0x19E98] =	vst v63  }
0x56: {  	v6 =	vsub.f32 v6, v8;
	_ =	swait.ge [sflag:s19], $0xC350  }
0x57: {  	v7 =	vnsel vm0, $0x0, v7;
	[sflag:s19] =	ssyncset.done $0x0  }
0x58: {  	v5 =	vadd.f32 v6, v5;
	[sflag:s19] =	ssyncadd.s32 $0xFFFF3CB0  }
0x59: {  	v6 =	vld.idx.msk [tilespmem:v12+s2+$0x0], $0xffff  }
0x5a: {  	v7 =	vadd.f32 v7, v5;
	v8 =	vld.idx.msk [tilespmem:v15+s13+$0x0], $0xffff  }
0x5b: {  	v5 =	vld.idx.msk [tilespmem:v16+s13+$0x0], $0x3  }
0x5c: {  	v9 =	vld.idx.msk [tilespmem:v10+s13+$0x0], $0xffff  }
0x5d: {  	v11 =	vld.idx.msk [tilespmem:v12+s13+$0x0], $0xffff  }
0x5e: {  	v12 =	vld.idx.msk [tilespmem:v15+s2+$0x0], $0xffff  }
0x5f: {  	v13 =	vld.idx.msk [tilespmem:v16+s2+$0x0], $0x3  }
0x60: {  	v8 =	vadd.s32 v1, v8;
	v10 =	vld.idx.msk [tilespmem:v10+s2+$0x0], $0xffff  }
0x61: {  	v5 =	vadd.s32 v4, v5;
	v6 =	vld.idx.msk [tilespmem:v6+s15+$0x0], $0xffff  }
0x62: {  	v9 =	vadd.s32 v2, v9;
	_ =	sdelay $0x1  }
0x63: {  	v11 =	vadd.s32 v3, v11  }
0x64: {  	v8 =	vld.idx.msk [tilespmem:v8+s17+$0x0], $0xffff  }
0x65: {  	v5 =	vld.idx.msk [tilespmem:v5+s17+$0x0], $0x3  }
0x66: {  	v13 =	vld.idx.msk [tilespmem:v13+s15+$0x0], $0x3  }
0x67: {  	v12 =	vld.idx.msk [tilespmem:v12+s15+$0x0], $0xffff  }
0x68: {  	v10 =	vld.idx.msk [tilespmem:v10+s15+$0x0], $0xffff  }
0x69: {  	v9 =	vld.idx.msk [tilespmem:v9+s17+$0x0], $0xffff  }
0x6a: {  	v11 =	vld.idx.msk [tilespmem:v11+s17+$0x0], $0xffff  }
0x6b: {  	[hbm4b:s26+s2] =	stream.linear.scatter [tilespmem:s17], [sflag:$0x3], $0xC350, $0x38;
	[tilespmem:$0x19E98] =	vst v63  }
0x6c: {  	s1 =	sadd.s32 $0x42, s29;
	v5 =	vsub.f32 v13, v5;
	_ =	swait.ge [sflag:s12], $0xC350  }
0x6d: {  	p1 =	seq.s32 s29, $0x5DC;
	s30 =	sadd.s32 $0x32, s29;
	v8 =	vsub.f32 v12, v8;
	[sflag:s12] =	ssyncset.done $0x0  }
0x6e: {  	s31 =	simm.s32 @!p1 $0x32;
	s0 =	simm.s32 @!p1 $0x17F8;
	v12 =	vadd.s32 s30, v0;
	[sflag:s12] =	ssyncadd.s32 $0xFFFF3CB0  }
0x6f: {  	v7 =	vadd.f32 v8, v7;
	v8 =	vsub.f32 v10, v9;
	v9 =	vadd.s32 s1, v0;
	[tilespmem:s0], [sflag:$0x1] =	stream.indirect.gather @!p1 [hbm4b:s4+s31], $0x3E8, s23, s31, $0xb8;
	[tilespmem:$0x19E98] =	vst v63  }
0x70: {  	v6 =	vsub.f32 v6, v11;
	s0 =	sadd.s32 $0x52, s29;
	_ =	swait.ge [sflag:s20], $0xC350  }
0x71: {  	v7 =	vadd.f32 v8, v7;
	v8 =	vadd.s32 s0, v0;
	[sflag:s20] =	ssyncset.done $0x0  }
0x72: {  	s0 =	sadd.s32 $0x62, s29;
	[sflag:s20] =	ssyncadd.s32 $0xFFFF3CB0  }
0x73: {  	v10 =	vadd.s32 s0, v0;
	v6 =	vadd.f32 v6, v7;
	v7 =	vld.idx.msk [tilespmem:v12+s13+$0x0], $0xffff  }
0x74: {  	v11 =	vld.idx.msk [tilespmem:v9+s13+$0x0], $0xffff  }
0x75: {  	v12 =	vld.idx.msk [tilespmem:v12+s2+$0x0], $0xffff  }
0x76: {  	v14 =	vld.idx.msk [tilespmem:v8+s13+$0x0], $0xffff  }
0x77: {  	v15 =	vld.idx.msk [tilespmem:v9+s2+$0x0], $0xffff  }
0x78: {  	v9 =	vld.idx.msk [tilespmem:v10+s13+$0x0], $0x3  }
0x79: {  	v16 =	vadd.s32 v1, v7;
	v7 =	vld.idx.msk [tilespmem:v8+s2+$0x0], $0xffff  }
0x7a: {  	v8 =	vadd.s32 v2, v11;
	v13 =	vld.idx.msk [tilespmem:v10+s2+$0x0], $0x3;
	_ =	sdelay $0x1  }
0x7b: {  	v17 =	vadd.s32 v3, v14  }
.Ltmp0:
0x7c: {  	v10 =	vld.idx.msk [tilespmem:v12+s15+$0x0], $0xffff;
	(pc) =	sbr.rel @p0 .LBB2_2-.Ltmp0, $4  }
0x7d: {  	v14 =	vadd.s32 v4, v9;
	v12 =	vld.idx.msk [tilespmem:v16+s18+$0x0], $0xffff  }
0x7e: {  	v9 =	vld.idx.msk [tilespmem:v8+s18+$0x0], $0xffff  }
0x7f: {  	v11 =	vld.idx.msk [tilespmem:v15+s15+$0x0], $0xffff  }
0x80: {  	s26 =	sadd.s32 $0x30D4, s26;
	v8 =	vld.idx.msk [tilespmem:v17+s18+$0x0], $0xffff  }
0x81: {  	_ =	sdelay $0x3  }
0x82: {  	v13 =	vld.idx.msk [tilespmem:v13+s15+$0x0], $0x3  }
0x83: {  	v5 =	vnsel vm0, $0x0, v5;
	v7 =	vld.idx.msk [tilespmem:v7+s15+$0x0], $0xffff  }
0x84: {  	v14 =	vld.idx.msk [tilespmem:v14+s18+$0x0], $0x3;
	v5 =	vadd.f32 v5, v6;
	v6 =	vsub.f32 v10, v12;
	_ =	sdelay $0x1  }
0x85: {  	v5 =	vadd.f32 v6, v5;
	v6 =	vsub.f32 v11, v9;
	_ =	sdelay $0x1  }
0x86: {  	v5 =	vadd.f32 v6, v5;
	v6 =	vsub.f32 v7, v8  }
0x87: {  	v7 =	vsub.f32 v13, v14  }
0x88: {  	[hbm4b:s24+s2] =	stream.linear.scatter [tilespmem:s18], [sflag:$0x3], $0xC350, $0x38;
	v5 =	vadd.f32 v6, v5;
	[tilespmem:$0x19E98] =	vst v63  }
0x89: {  	_ =	swait.ge [sflag:s12], $0xC350;
	v6 =	vnsel vm0, $0x0, v7  }
0x8a: {  	s22 =	sadd.s32 $0x1, s22;
	[sflag:s12] =	ssyncset.done $0x0;
	v5 =	vadd.f32 v6, v5  }
0x8b: {  	p0 =	sne.s32 s22, s9;
	[sflag:s12] =	ssyncadd.s32 $0xFFFF3CB0  }
.Ltmp1:
0x8c: {  	[tilespmem:$0x17E8] =	vst v5;
	(pc) =	sbr.rel @p0 .LBB2_1-.Ltmp1, $4  }
0x8d: {  	[hbm4b:s8+s2] =	stream.linear.scatter [tilespmem:s21], [sflag:$0x3], $0x10, $0x38;
	[tilespmem:$0x19E98] =	vst v63  }
0x8e: {  	_ =	swait.ge [sflag:s12], $0x10  }
0x8f: {  	[sflag:s12] =	ssyncset.done $0x0  }
0x90: {  	[sflag:s12] =	ssyncadd.s32 $0xFFFFFFF0  }
0x91: {  	_ =	sfence.sel $0x180000  }
0x92: {  	[bflag:$0x0] =	sbarrier.arrive $0xFFFF  }
0x93: {  	_ =	strace $0x90000047  }
0x94: {  	s0 =	stileid.u32;
	[bflag:$0x2] =	sbarrier.arrive $0xFFFF  }
0x95: {  	p0 =	sne.s32 s0, $0x0;
	s0 =	rddreg [dreg:$0x2]  }
0x96: {  	s0 =	sadd.s32 @!p0 $0x100000, s0  }
0x97: {  	[sflag:s0] =	ssyncadd.tile.s32 @!p0 $0x1;
	_ =	shalt  }
.Lfunc_end2:
_tile_overlayer_lowered:
.L_overlay_start_2:
0x98: {  	(tag) =	ssettag $0x2  }
0x99: {  	s0 =	rddreg [dreg:$0x0];
	s2 =	stileid.u32  }
0x9a: {  	s1 =	rddreg [dreg:$0x1];
	p0 =	sne.s32 s2, $0x0  }
0x9b: {  	s3 =	rddreg [dreg:$0x2];
	[bflag:$0x3] =	sbarrier.arrive $0xFFFF;
	s2 =	simm.s32 @!p0 $0x1C03  }
0x9c: {  	[timem:s3], [sflag:s2] =	dma.local @!p0 [hbm:s0], s1  }
0x9d: {  	s0 =	simm.s32 @!p0 $0x3  }
0x9e: {  	_ =	swait.ge @!p0 [sflag:s0], s1  }
0x9f: {  	s1 =	ssub.s32 @!p0 $0x0, s1;
	[sflag:s0] =	ssyncset.done @!p0 $0x0  }
0xa0: {  	[sflag:s0] =	ssyncadd.s32 @!p0 s1  }
0xa1: {  	[bflag:$0x3] =	sbarrier.arrive $0xFFFF  }
0xa2: {  	_ =	shalt  }

// kernel: sparse-core-data-format-call.cloned.1.call-start
scs
called_computation_lowered:
.L_overlay_start_0:
0x0: {  	s2 =	sld [smem:$0x3FD9]  }
0x1: {  	s3 =	sld [smem:$0x3FFE];
	_ =	sdelay $0x1  }
0x2: {  	s1 =	srdreg.scid  }
0x3: {  	s0 =	sand.u32 $0x1, s1  }
0x4: {  	s15 =	sshll.u32 s0, $0xA;
	s2 =	sadd.s32 s3, s2  }
0x5: {  	s2 =	sadd.s32 s2, s15  }
0x6: {  	[smem:$0x3FC5] =	sst s2  }
0x7: {  	_ = 	snop  }
0x8: {  	s2 =	sld [smem:$0x3FD0];
	_ =	sdelay $0x2  }
0x9: {  	s16 =	simm.s32 $0xA;
	s4 =	simm.s32 $0x10  }
0xa: {  	[smem:s4], [sflag:s16] =	dma.local [hbm:s2], $0x1  }
0xb: {  	_ =	swait.eq [sflag:s16], $0x1  }
0xc: {  	[sflag:s16] =	ssyncset.done $0x0  }
0xd: {  	[sflag:s16] =	ssyncadd.s32 $0xFFFFFFFF  }
0xe: {  	s17 =	sld [smem:$0x10];
	(tm) =	ssettm $0x1  }
0xf: {  	s18 =	sld [smem:$0x3FFB];
	_ =	sdelay $0x3  }
0x10: {  	_ =	strace s18  }
0x11: {  	s3 =	sld [smem:$0x3FFC];
	_ =	sdelay $0x3  }
0x12: {  	_ =	strace s3  }
0x13: {  	s3 =	sld [smem:$0x3FFD];
	_ =	sdelay $0x3  }
0x14: {  	_ =	strace s3  }
0x15: {  	_ =	strace $0x8FFFFFFF  }
0x16: {  	s19 =	sld [smem:$0x3FDB];
	_ =	sdelay $0x1  }
0x17: {  	s20 =	simm.s32 $_scs_section_size  }
0x18: {  	s5 =	simm.s32 $_size__tile_overlayer_lowered;
	s6 =	simm.s32 $_tile_overlayer_lowered  }
0x19: {  	s23 =	simm.s32 $0x1BFF;
	s22 =	sshll.u32 s6, $0x1;
	s3 =	sadd.s32 s20, s19  }
0x1a: {  	s7 =	simm.s32 $0x0;
	s21 =	sshll.u32 s5, $0x1;
	s5 =	sadd.s32 s22, s3  }
0x1b: {  	[timem:s7], [sflag:s23] =	dma.local [hbm:s5], s21  }
0x1c: {  	_ =	swait.ge [sflag:s23], s21  }
0x1d: {  	s4 =	ssub.s32 $0x0, s21;
	[sflag:s23] =	ssyncset.done $0x0  }
0x1e: {  	[sflag:s23] =	ssyncadd.s32 s4;
	_ =	sdelay $0x1  }
0x1f: {  	s24 =	simm.s32 $0x1B8B  }
0x20: {  	_ =	swait.ge [sflag:s24], $0x1  }
0x21: {  	[sflag:s24] =	ssyncset.done $0x0  }
0x22: {  	s26 =	simm.s32 $0x1B8E;
	s25 =	sld [smem:$0x3FFE];
	[sflag:s24] =	ssyncadd.s32 $0xFFFFFFFF  }
0x23: {  	s27 =	simm.s32 $execute0_lowered;
	[smem:$0x3FD2] =	sst s26  }
0x24: {  	s5 =	sshll.u32 s27, $0x1;
	_ =	strace $0x80000049;
	[dreg:$0x1] =	wrdreg $0xFFFFFFFF  }
0x25: {  	s28 =	simm.s32 $_size_execute0_lowered;
	s3 =	sadd.s32 s3, s5;
	[dreg:$0x0] =	wrdreg $0x0  }
0x26: {  	s5 =	sshll.u32 s28, $0x1;
	[dreg:$0x2] =	wrdreg s3  }
0x27: {  	[dreg:$0x3] =	wrdreg s5  }
0x28: {  	[dreg:$0x4] =	wrdreg $0xC0  }
0x29: {  	_ =	task [dreg:s7], $0x5FFFF  }
0x2a: {  	[dreg:$0x1] =	wrdreg $0xFFFFFFFF  }
0x2b: {  	[dreg:$0x0] =	wrdreg $0x60  }
0x2c: {  	[dreg:$0x2] =	wrdreg s25  }
0x2d: {  	[dreg:$0x3] =	wrdreg s17  }
0x2e: {  	[dreg:$0x4] =	wrdreg $0x9  }
0x2f: {  	_ =	task.clear_ibuf [dreg:s7], $0x5FFFF;
	_ =	strace $0x90000049  }
0x30: {  	s29 =	simm.s32 $0x9;
	_ =	strace $0x8000004B  }
0x31: {  	_ =	swait.ge [sflag:s29], $0x1  }
0x32: {  	[sflag:s29] =	ssyncadd.s32 $0xFFFFFFFF  }
0x33: {  	_ =	strace $0x9000004B  }
0x34: {  	_ =	sfence  }
0x35: {  	s30 =	sld [smem:$0x0];
	_ =	sdelay $0x2  }
0x36: {  	s31 =	sshll.u32 s1, $0xD;
	s1 =	sshrl.u32 s1, $0x2  }
0x37: {  	s3 =	sand.u32 $0x4000, s31;
	s1 =	sadd.s32 s1, s30  }
0x38: {  	s0 =	sor.u32 s3, s0;
	s1 =	sshll.u32 s1, $0x11  }
0x39: {  	s0 =	sor.u32 s1, s0  }
0x3a: {  	s0 =	sadd.s32 $0x8F2B, s0  }
0x3b: {  	[sflag:s0] =	ssyncadd.remote.s32 $0x1  }
0x3c: {  	_ =	sfence.sel $0xFFFF  }
0x3d: {  	[dreg:$0x0] =	wrdreg $0xFFFFFFFF;
	(pc) =	sbr.abs _section_cstart, $3  }
0x3e: {  	[dreg:$0x1] =	wrdreg $0xFFFFFFFF  }
0x3f: {  	_ =	task.clear_ibuf [dreg:s7], $0x2FFFF;
	_ =	strace $0x9FFFFFFF  }
0x40: {  	(tm) =	ssettm $0x7FFFFFFF  }
0x41: {  	_ =	shalt  }
tec
execute0_lowered:
.L_overlay_start_1:
0x0: {  	(tag) =	ssettag $0x1  }
0x1: {  	s4 =	rddreg [dreg:$0x0]  }
0x2: {  	s0 =	stileid.u32;
	s2 =	rddreg [dreg:$0x1]  }
0x3: {  	s7 =	srdreg.scid;
	s31 =	simm.s32 $0x2;
	s17 =	simm.s32 $0x0  }
0x4: {  	s9 =	simm.s32 $0x2000;
	s19 =	simm.s32 $0x0;
	s18 =	simm.s32 $0x0  }
0x5: {  	s10 =	simm.s32 $0x0;
	s11 =	simm.s32 $0x0;
	s1 =	sshll.u32 s0, $0x7  }
0x6: {  	s12 =	simm.s32 $0x0;
	s14 =	simm.s32 $0x0;
	s3 =	sand.u32 $0x380, s1  }
0x7: {  	s16 =	simm.s32 $0x0;
	s4 =	sadd.s32 $0x24A00, s4;
	s5 =	ssub.s32 $0x400, s3  }
0x8: {  	s8 =	sshll.u32 s0, $0x4;
	s7 =	sshll.u32 s7, $0x8;
	s6 =	sand.u32 $0x380, s5  }
0x9: {  	s1 =	rddreg [dreg:$0x2];
	p0 =	sne.s32 s6, $0x0;
	s6 =	simm.s32 $0x1  }
.Ltmp0:
0xa: {  	s5 =	sshrl.u32 s5, $0xA;
	s6 =	simm.s32 @!p0 $0x0;
	(pc) =	sbr.rel .LBB1_1-.Ltmp0, $4  }
0xb: {  	_ =	strace $0x8000004A;
	s7 =	sor.u32 s8, s7;
	s6 =	sadd.s32 s6, s5  }
0xc: {  	s7 =	sand.u32 $0x180, s7;
	s5 =	simm.s32 $0x1;
	s6 =	smul.u32 $0x64, s6  }
0xd: {  	s15 =	smov.u32 s3;
	s13 =	smov.u32 s7;
	[sflag:s5] =	ssyncpa.u1 $0x0  }
0xe: {  	p0 =	por $0x0, $0x0;
	[sflag:s31] =	ssyncpa.u1 $0x0;
	s8 =	sor.u32 $0x1, s6  }
.LBB1_4:
0xf: {  	s25 =	sshll.u32 s10, $0xA;
	s24 =	sshra.s32 s24, $0x2;
	s26 =	sshll.u32 s12, $0x3  }
0x10: {  	p1 =	sgt.s32 s11, $0x31;
	s27 =	smov.u32 s11;
	s28 =	sshra.s32 s11, $0x1F  }
0x11: {  	p2 =	sgt.s32 s12, $0x380;
	s31 =	sshra.s32 s12, $0x1F;
	s25 =	sand.u32 $0xFFFFE000, s25  }
0x12: {  	s26 =	sand.u32 $0xFFFFFC00, s26;
	s27 =	simm.s32 @!p1 $0x31;
	s28 =	sand.u32 s28, s11  }
0x13: {  	[tilespmem:s22+$0x2040 ss:$0x81] =	vst.msk $0xffff, v4;
	s23 =	sadd.s32 s24, s23;
	s29 =	sadd.s32 s26, s25;
	s25 =	ssub.s32 s27, s28  }
0x14: {  	[tilespmem:s22+$0x2850 ss:$0x81] =	vst.msk $0xffff, v3;
	s27 =	smov.u32 s12;
	s28 =	smov.u32 s10;
	s26 =	sand.u32 s31, s12  }
0x15: {  	[tilespmem:s22+$0x3060 ss:$0x81] =	vst.msk $0xffff, v2;
	s24 =	sshrl.u32 s29, $0xA;
	s30 =	sadd.s32 $0xFFFFFFCF, s25;
	s27 =	simm.s32 @!p2 $0x380  }
0x16: {  	v5 =	vld [tilespmem:s21+$0xFFFFFFD0];
	[tilespmem:s22+$0x0 ss:$0x81] =	vst.msk $0xffff, v1;
	p2 =	sgt.s32 s10, $0x368;
	s29 =	sshra.s32 s10, $0x1F;
	s22 =	ssub.s32 $0x32, s25  }
0x17: {  	v58 =	vld [tilespmem:s21+$0xFFFFFFE0];
	p1 =	sgt.s32 s30, $0x0;
	s28 =	simm.s32 @!p2 $0x368;
	s29 =	sand.u32 s29, s10  }
0x18: {  	v59 =	vld [tilespmem:s21+$0xFFFFFFF0];
	s26 =	ssub.s32 s27, s26;
	s27 =	smulhi.u32 $0x418938, s24;
	s28 =	ssub.s32 s28, s29  }
0x19: {  	v60 =	vld [tilespmem:s21+$0x0];
	s30 =	sadd.s32 $0xFFFFFC80, s26;
	s25 =	ssub.s32 $0x400, s26;
	s22 =	simm.s32 @p1 $0x0  }
0x1a: {  	v61 =	vld [tilespmem:s21+$0x10];
	[tilespmem:s23+$0x3870 ss:$0x81] =	vst.msk $0xffff, v0;
	s29 =	sand.u32 $0x78, s12;
	p2 =	sgt.s32 s30, $0x7F;
	s31 =	sadd.s32 $0xFFFFFC98, s28  }
0x1b: {  	v62 =	vld [tilespmem:s21+$0x20];
	[tilespmem:s23+$0x810 ss:$0x81] =	vst.msk $0xffff, v5;
	s27 =	smul.u32 $0x3E8, s27;
	s30 =	sshll.u32 s10, $0x7;
	s28 =	ssub.s32 $0x3E8, s28  }
0x1c: {  	v63 =	vld [tilespmem:s21+$0xFFFFFFC0];
	[tilespmem:s23+$0x1020 ss:$0x81] =	vst.msk $0xffff, v58;
	s25 =	simm.s32 @p2 $0x0;
	p1 =	sgt.s32 s31, $0x7F;
	s31 =	smul.u32 $0x1F400, s11  }
0x1d: {  	[tilespmem:s23+$0x1830 ss:$0x81] =	vst.msk $0xffff, v59;
	s21 =	sand.u32 $0x380, s30;
	s22 =	smul.u32 s25, s22;
	s28 =	simm.s32 @p1 $0x0  }
0x1e: {  	[tilespmem:s23+$0x2040 ss:$0x81] =	vst.msk $0xffff, v60;
	s21 =	sor.u32 s29, s21;
	s24 =	ssub.s32 s24, s27;
	s29 =	sand.u32 $0x7, s12  }
0x1f: {  	[tilespmem:s23+$0x2850 ss:$0x81] =	vst.msk $0xffff, v61;
	s21 =	sshrl.u32 s21, $0x3;
	s25 =	sadd.s32 s2, s31;
	s22 =	smul.u32 s28, s22  }
0x20: {  	[tilespmem:s23+$0x3060 ss:$0x81] =	vst.msk $0xffff, v62;
	s24 =	sshll.u32 s24, $0x7;
	s30 =	sshll.u32 s29, $0x12;
	s21 =	sadd.s32 s21, s25  }
0x21: {  	[tilespmem:s23+$0x0 ss:$0x81] =	vst.msk $0xffff, v63;
	s31 =	sor.u32 $0x400, s30;
	s21 =	sadd.s32 s24, s21;
	s22 =	sand.u32 $0x3FFFFFFF, s22  }
0x22: {  	[hbm4b:s21+s31] =	stream.strided.scatter [tilespmem:s20], [sflag:$0x2], s22, s9, s31, $0x20;
	[tilespmem:$0x10100] =	vst v63  }
.LBB1_5:
0x23: {  	p1 =	slt.u32 s16, $0x2  }
0x24: {  	p2 =	sgt.s32 @!p1 s19, $0x31  }
0x25: {  	s20 =	smov.u32 s19;
	s21 =	sshra.s32 @!p1 s19, $0x1F;
	p2 =	por !p2, p1  }
0x26: {  	s19 =	sand.u32 @!p1 s21, s19;
	s20 =	simm.s32 @p2 $0x31  }
0x27: {  	p3 =	sgt.s32 @!p1 s17, $0x368;
	s19 =	ssub.s32 @!p1 s20, s19  }
0x28: {  	p4 =	sgt.s32 @!p1 s18, $0x380;
	s22 =	sshra.s32 @!p1 s18, $0x1F;
	s20 =	sadd.s32 @!p1 $0xFFFFFFCF, s19  }
0x29: {  	s21 =	smov.u32 s17;
	p2 =	sgt.s32 @!p1 s20, $0x0;
	s20 =	sshra.s32 @!p1 s17, $0x1F  }
0x2a: {  	p4 =	por !p4, p1;
	s17 =	sand.u32 @!p1 s20, s17;
	s20 =	smov.u32 s18  }
0x2b: {  	p3 =	por !p3, p1;
	s18 =	sand.u32 @!p1 s22, s18;
	s20 =	simm.s32 @p4 $0x380  }
0x2c: {  	s21 =	simm.s32 @p3 $0x368;
	s19 =	ssub.s32 @!p1 $0x32, s19;
	s18 =	ssub.s32 @!p1 s20, s18  }
0x2d: {  	p2 =	por !p2, p1;
	s17 =	ssub.s32 @!p1 s21, s17;
	s21 =	sadd.s32 @!p1 $0xFFFFFC80, s18  }
0x2e: {  	s19 =	simm.s32 @!p2 $0x0;
	p3 =	sgt.s32 @!p1 s21, $0x7F  }
0x2f: {  	s20 =	sadd.s32 @!p1 $0xFFFFFC98, s17;
	s18 =	ssub.s32 @!p1 $0x400, s18;
	p3 =	por !p3, p1  }
0x30: {  	p2 =	sgt.s32 @!p1 s20, $0x7F;
	s20 =	sadd.s32 $0x200, s13;
	s18 =	simm.s32 @!p3 $0x0  }
0x31: {  	p3 =	sgt.s32 s20, $0x3E7;
	s18 =	smul.u32 @!p1 s18, s19;
	s19 =	simm.s32 $0x1  }
0x32: {  	s17 =	ssub.s32 @!p1 $0x3E8, s17;
	p2 =	por !p2, p1;
	s19 =	simm.s32 @!p3 $0x0  }
0x33: {  	s22 =	smov.u32 s15;
	s17 =	simm.s32 @!p2 $0x0;
	s21 =	sadd.s32 s19, s14  }
0x34: {  	s17 =	smul.u32 @!p1 s17, s18;
	s18 =	sadd.s32 $0x400, s15;
	p2 =	sgt.s32 s21, $0x31  }
0x35: {  	p0 =	por !p0, !p0;
	s23 =	simm.s32 @!p1 $0x2;
	s22 =	smov.u32 @p2 s18  }
0x36: {  	s20 =	smov.u32 @p3 s7;
	s21 =	simm.s32 @p2 $0x0;
	p2 =	sgt.s32 s22, $0x3FF  }
0x37: {  	s19 =	smov.u32 s11;
	s22 =	smov.u32 @p2 s3;
	p2 =	sne.s32 s16, s8  }
.Ltmp1:
0x38: {  	s11 =	smov.u32 s14;
	s17 =	sand.u32 @!p1 $0x3FFFFFFF, s17;
	(pc) =	sbr.rel @!p2 .LBB1_6-.Ltmp1, $4  }
0x39: {  	s18 =	smov.u32 s12;
	s12 =	smov.u32 s15;
	_ =	swait.ge @!p1 [sflag:s23], s17  }
0x3a: {  	s24 =	ssub.s32 @!p1 $0x0, s17;
	s17 =	smov.u32 s10;
	s10 =	smov.u32 s13  }
0x3b: {  	s13 =	smov.u32 s20;
	s14 =	smov.u32 s21;
	[sflag:s23] =	ssyncset.done @!p1 $0x0  }
0x3c: {  	s16 =	sadd.s32 $0x1, s16;
	[sflag:s23] =	ssyncadd.s32 @!p1 s24;
	s15 =	smov.u32 s22  }
.LBB1_1:
0x3d: {  	p1 =	sge.u32 s16, s6  }
0x3e: {  	s20 =	sshll.u32 @!p1 s14, $0xA  }
0x3f: {  	s21 =	sshll.u32 @!p1 s13, $0x3;
	s20 =	sand.u32 @!p1 $0xFFFFE000, s20  }
0x40: {  	s20 =	sadd.s32 @!p1 s20, s21  }
0x41: {  	s20 =	sshrl.u32 @!p1 s20, $0xA  }
0x42: {  	s21 =	smulhi.u32 @!p1 $0x4924925, s20  }
0x43: {  	s22 =	sshll.u32 @!p1 s14, $0x7;
	s24 =	smul.u32 @!p1 $0x1C00, s15  }
0x44: {  	s23 =	sand.u32 @!p1 $0x78, s13;
	s22 =	sand.u32 @!p1 $0x380, s22;
	s21 =	smul.u32 @!p1 $0x38, s21  }
0x45: {  	s31 =	sadd.s32 $0xFFFFFFFF, s16;
	s22 =	sor.u32 @!p1 s23, s22;
	s23 =	sadd.s32 @!p1 s4, s24  }
0x46: {  	s22 =	sshrl.u32 @!p1 s22, $0x3;
	s20 =	ssub.s32 @!p1 s20, s21;
	s21 =	sxor.u32 @!p1 $0xFFFFFFFF, s16  }
0x47: {  	s22 =	sadd.s32 @!p1 s22, s23;
	s23 =	sand.u32 @!p1 $0x7, s13;
	s21 =	sshll.u32 @!p1 s21, $0xE  }
0x48: {  	s23 =	sshll.u32 @!p1 s23, $0x12;
	s20 =	sshll.u32 @!p1 s20, $0x7;
	s21 =	sand.u32 @!p1 $0x4000, s21  }
0x49: {  	s20 =	sadd.s32 @!p1 s20, s22;
	s22 =	sor.u32 @!p1 $0x80, s23;
	s23 =	simm.s32 @!p1 $0xE000  }
0x4a: {  	[tilespmem:s21], [sflag:$0x1] =	stream.strided.gather @!p1 [hbm4b:s20+s22], $0x4000, s23, s22, $0x38;
	[tilespmem:$0x10100] =	vst v63  }
0x4b: {  	p1 =	sge.u32 s31, s6  }
.Ltmp2:
0x4c: {  	_ = 	snop;
	(pc) =	sbr.rel @p1 .LBB1_5-.Ltmp2, $1  }
0x4d: {  	_ =	sdelay $0x3  }
0x4e: {  	s20 =	simm.s32 $0x1  }
0x4f: {  	_ =	swait.ge [sflag:s5], $0x4000;
	s20 =	simm.s32 @!p0 $0x0  }
0x50: {  	[sflag:s5] =	ssyncset.done $0x0;
	s21 =	sshll.u32 s20, $0xE  }
0x51: {  	[sflag:s5] =	ssyncadd.s32 $0xFFFFC000;
	s21 =	sor.u32 $0x40, s21  }
0x52: {  	s20 =	smul.u32 $0x10200, s20;
	v0 =	vld [tilespmem:s21+$0x30]  }
0x53: {  	v1 =	vld [tilespmem:s21+$0xFFFFFFD0]  }
0x54: {  	s20 =	sshrl.u32 s20, $0x2;
	v5 =	vld [tilespmem:s21+$0xFFFFFFE0]  }
0x55: {  	v6 =	vld [tilespmem:s21+$0xFFFFFFF0];
	s23 =	sor.u32 $0x8000, s20  }
0x56: {  	s31 =	sand.u32 $0x1, s16;
	v4 =	vld [tilespmem:s21+$0x0];
	s22 =	sadd.s32 $0x0, s23  }
0x57: {  	v3 =	vld [tilespmem:s21+$0x10];
	s20 =	smul.u32 $0x10200, s31;
	[tilespmem:s22+$0x3870 ss:$0x81] =	vst.msk $0xffff, v0  }
0x58: {  	v2 =	vld [tilespmem:s21+$0x20];
	[tilespmem:s22+$0x810 ss:$0x81] =	vst.msk $0xffff, v1  }
0x59: {  	s20 =	sshrl.u32 s20, $0x2;
	v1 =	vld [tilespmem:s21+$0xFFFFFFC0];
	[tilespmem:s22+$0x1020 ss:$0x81] =	vst.msk $0xffff, v5;
	s21 =	sadd.s32 $0x80, s21  }
0x5a: {  	s24 =	simm.s32 $0x4;
	s25 =	simm.s32 $0x8;
	s20 =	sor.u32 $0x8000, s20;
	[tilespmem:s22+$0x1830 ss:$0x81] =	vst.msk $0xffff, v6;
	v0 =	vld [tilespmem:s21+$0x30]  }
.LBB1_3:
0x5b: {  	p1 =	sne.s32 s25, $0x1FC;
	v5 =	vld [tilespmem:s21+$0xFFFFFFD0];
	[tilespmem:s22+$0x2040 ss:$0x81] =	vst.msk $0xffff, v4  }
0x5c: {  	v6 =	vld [tilespmem:s21+$0xFFFFFFE0];
	[tilespmem:s22+$0x2850 ss:$0x81] =	vst.msk $0xffff, v3  }
0x5d: {  	s26 =	sshra.s32 s24, $0x2;
	s24 =	smov.u32 s25;
	v7 =	vld [tilespmem:s21+$0xFFFFFFF0];
	[tilespmem:s22+$0x3060 ss:$0x81] =	vst.msk $0xffff, v2  }
.Ltmp3:
0x5e: {  	v4 =	vld [tilespmem:s21+$0x0];
	[tilespmem:s22+$0x0 ss:$0x81] =	vst.msk $0xffff, v1;
	s22 =	sadd.s32 s26, s23;
	(pc) =	sbr.rel @p1 .LBB1_3-.Ltmp3, $4  }
0x5f: {  	v3 =	vld [tilespmem:s21+$0x10];
	[tilespmem:s22+$0x3870 ss:$0x81] =	vst.msk $0xffff, v0  }
0x60: {  	[tilespmem:s22+$0x810 ss:$0x81] =	vst.msk $0xffff, v5;
	v2 =	vld [tilespmem:s21+$0x20]  }
0x61: {  	v1 =	vld [tilespmem:s21+$0xFFFFFFC0];
	[tilespmem:s22+$0x1020 ss:$0x81] =	vst.msk $0xffff, v6;
	s21 =	sadd.s32 $0x80, s21  }
0x62: {  	s25 =	sadd.s32 $0x4, s25;
	v0 =	vld [tilespmem:s21+$0x30];
	[tilespmem:s22+$0x1830 ss:$0x81] =	vst.msk $0xffff, v7  }
.Ltmp4:
0x63: {  	_ = 	snop;
	(pc) =	sbr.rel .LBB1_4-.Ltmp4, $1  }
0x64: {  	_ =	sdelay $0x3  }
.LBB1_6:
0x65: {  	_ =	sfence.sel $0x180000  }
0x66: {  	s2 =	simm.s32 $0x1;
	[bflag:$0x0] =	sbarrier.arrive $0xFFFF  }
0x67: {  	s31 =	simm.s32 $0x2;
	[sflag:s2] =	ssyncpa.u1 $0x1  }
0x68: {  	[sflag:s31] =	ssyncpa.u1 $0x1  }
0x69: {  	p0 =	sne.s32 s0, $0x0;
	_ =	strace $0x9000004A  }
0x6a: {  	s0 =	sadd.s32 @!p0 $0x100000, s1;
	[bflag:$0x2] =	sbarrier.arrive $0xFFFF  }
0x6b: {  	[sflag:s0] =	ssyncadd.tile.s32 @!p0 $0x1;
	_ =	shalt  }
.Lfunc_end1:
_tile_overlayer_lowered:
.L_overlay_start_2:
0x6c: {  	(tag) =	ssettag $0x2  }
0x6d: {  	s0 =	rddreg [dreg:$0x0];
	s2 =	stileid.u32  }
0x6e: {  	s1 =	rddreg [dreg:$0x1];
	p0 =	sne.s32 s2, $0x0  }
0x6f: {  	s3 =	rddreg [dreg:$0x2];
	[bflag:$0x3] =	sbarrier.arrive $0xFFFF;
	s2 =	simm.s32 @!p0 $0x1C01  }
0x70: {  	[timem:s3], [sflag:s2] =	dma.local @!p0 [hbm:s0], s1  }
0x71: {  	s0 =	simm.s32 @!p0 $0x1  }
0x72: {  	_ =	swait.ge @!p0 [sflag:s0], s1  }
0x73: {  	s1 =	ssub.s32 @!p0 $0x0, s1;
	[sflag:s0] =	ssyncset.done @!p0 $0x0  }
0x74: {  	[sflag:s0] =	ssyncadd.s32 @!p0 s1  }
0x75: {  	[bflag:$0x3] =	sbarrier.arrive $0xFFFF  }
0x76: {  	_ =	shalt  }

</sc_bundles>
